<compile_context>
chip_gen: v7x
topology: tpu7x:2x2x1
jax: 0.10.2.dev20260603
libtpu: 0.0.44.dev20260713+nightly
codegen_flags: <defaults>
</compile_context>

<pallas_src>
import functools

import jax
import jax.numpy as jnp
from jax import lax
from jax.experimental import pallas as pl
from jax.experimental.pallas import tpu as pltpu
from jax.experimental.pallas import tpu_sc as plsc

_LANES = 16


@functools.lru_cache(maxsize=None)
def _make_sc_gather(B, n, d, CHG, QPS, NBUF):
    info = plsc.get_sparse_core_info()
    NC, NS = info.num_cores, info.num_subcores
    NW = NC * NS
    CHS = CHG * QPS
    R = (B * n) // NW
    assert (B * n) % NW == 0 and (n % R == 0 or R % n == 0)
    RR = min(R, n)
    assert RR % CHS == 0 and RR % _LANES == 0
    NCH = RR // CHS
    assert NCH % NBUF == 0

    mesh = plsc.VectorSubcoreMesh(core_axis_name="c", subcore_axis_name="s")
    out_type = jax.ShapeDtypeStruct((B * n, d), jnp.float32)
    scratch = [pltpu.VMEM((RR,), jnp.int32)]
    scratch += [pltpu.VMEM((CHS, d), jnp.float32) for _ in range(NBUF)]
    scratch += [pltpu.SemaphoreType.DMA for _ in range(NBUF * QPS)]
    scratch += [pltpu.SemaphoreType.DMA for _ in range(NBUF)]

    @functools.partial(pl.kernel, mesh=mesh, out_type=out_type,
                       scratch_types=scratch)
    def sc_kernel(emb, order, out, idx, *rest):
        bufs = rest[:NBUF]
        gsem = rest[NBUF:NBUF + NBUF * QPS]
        ssem = rest[NBUF + NBUF * QPS:]
        wid = lax.axis_index("s") * NC + lax.axis_index("c")

        n_inner = max(1, R // n)
        for kk in range(n_inner):
            row0 = wid * R + kk * RR
            b = row0 // n
            i0 = row0 - b * n
            base = b * n

            pltpu.sync_copy(order.at[pl.ds(i0, RR)], idx)
            for j in range(RR // _LANES):
                sl = pl.ds(j * _LANES, _LANES)
                idx[sl] = idx[sl] + base

            def gather_start(c, s, q):
                pltpu.async_copy(
                    emb.at[idx.at[pl.ds(c * CHS + q * CHG, CHG)]],
                    bufs[s].at[pl.ds(q * CHG, CHG)], gsem[s * QPS + q])

            def gather_wait(c, s, q):
                pltpu.make_async_copy(
                    emb.at[idx.at[pl.ds(c * CHS + q * CHG, CHG)]],
                    bufs[s].at[pl.ds(q * CHG, CHG)],
                    gsem[s * QPS + q]).wait()

            def store_start(c, s):
                pltpu.async_copy(bufs[s], out.at[pl.ds(row0 + c * CHS, CHS)],
                                 ssem[s])

            def store_wait(c, s):
                pltpu.make_async_copy(bufs[s],
                                      out.at[pl.ds(row0 + c * CHS, CHS)],
                                      ssem[s]).wait()

            for s in range(NBUF):
                for q in range(QPS):
                    gather_start(s, s, q)

            def body(i, _):
                for s in range(NBUF):
                    c = i * NBUF + s
                    for q in range(QPS):
                        gather_wait(c, s, q)
                    store_start(c, s)
                for s in range(NBUF):
                    c2 = (i + 1) * NBUF + s

                    def refill(s=s, c2=c2):
                        store_wait(c2 - NBUF, s)
                        for q in range(QPS):
                            gather_start(c2, s, q)

                    pl.when(c2 < NCH)(refill)
                return 0

            lax.fori_loop(0, NCH // NBUF, body, 0)

            for s in range(NBUF):
                store_wait(NCH - NBUF + s, s)

    return sc_kernel


def kernel(embeddings, order):
    B, n, d = embeddings.shape
    order_i = order.astype(jnp.int32)
    f = _make_sc_gather(B, n, d, 16, 2, 4)
    out = f(embeddings.reshape(B * n, d), order_i)
    return (out.reshape(B, n, d), None)

# --- scband reference (transcript-rebuilt; emitter-appended) ---
"""Pipeline reference for scband-fixed-router-hilbert-31207232373066 (READ-ONLY COPY).

The authoritative reference and input builder live on the scoring server;
editing this copy changes nothing except your own understanding.
"""

import jax, jax.numpy as jnp
import numpy as np


def _hilbert_order(grid_h, grid_w):
    # side of enclosing power-of-2 square
    n = 1
    while n < max(grid_h, grid_w):
        n *= 2
    d_vals = np.zeros((grid_h, grid_w), dtype=np.int64)
    for y in range(grid_h):
        for x in range(grid_w):
            xx, yy = x, y
            dd = 0
            s = n // 2
            while s > 0:
                rx = 1 if (xx & s) > 0 else 0
                ry = 1 if (yy & s) > 0 else 0
                dd += s * s * ((3 * rx) ^ ry)
                # rotate quadrant
                if ry == 0:
                    if rx == 1:
                        xx = s - 1 - xx
                        yy = s - 1 - yy
                    xx, yy = yy, xx
                s //= 2
            d_vals[y, x] = dd
    flat = d_vals.reshape(-1)
    order = np.argsort(flat, kind='stable')
    return order.astype(np.int64)


def setup_inputs(seed: int = 0) -> dict:
    key = jax.random.key(seed)
    B, n, d = 32, 1024, 768
    embeddings = jax.random.normal(key, (B, n, d), dtype=jnp.float32)
    order = jnp.asarray(_hilbert_order(32, 32))
    return {"embeddings": embeddings, "order": order}


def reference(embeddings, order):
    # embeddings: (B, n, d); reorder patches along axis 1 by fixed Hilbert order
    x_sorted = jnp.take(embeddings, order, axis=1)
    return (x_sorted, None)

if __name__ == "__main__":
    import jax
    _d = setup_inputs()
    print(jax.jit(kernel)(*tuple(_d.values())))

</pallas_src>

<mosaic_0001>
#map = affine_map<(d0, d1) -> (0, 0)>
#map1 = affine_map<(d0, d1) -> (0)>
module attributes {stable_mosaic.version = 14 : i64} {
  func.func @sc_kernel(%arg0: i32, %arg1: i32, %arg2: memref<32768x768xf32, #tpu.memory_space<hbm>>, %arg3: memref<1024xi32, #tpu.memory_space<hbm>>, %arg4: memref<32768x768xf32, #tpu.memory_space<hbm>>, %arg5: memref<1024xi32, #tpu.memory_space<vmem>>, %arg6: memref<32x768xf32, #tpu.memory_space<vmem>>, %arg7: memref<32x768xf32, #tpu.memory_space<vmem>>, %arg8: memref<32x768xf32, #tpu.memory_space<vmem>>, %arg9: memref<32x768xf32, #tpu.memory_space<vmem>>, %arg10: memref<!tpu.dma_semaphore, #tpu.memory_space<semaphore_mem>>, %arg11: memref<!tpu.dma_semaphore, #tpu.memory_space<semaphore_mem>>, %arg12: memref<!tpu.dma_semaphore, #tpu.memory_space<semaphore_mem>>, %arg13: memref<!tpu.dma_semaphore, #tpu.memory_space<semaphore_mem>>, %arg14: memref<!tpu.dma_semaphore, #tpu.memory_space<semaphore_mem>>, %arg15: memref<!tpu.dma_semaphore, #tpu.memory_space<semaphore_mem>>, %arg16: memref<!tpu.dma_semaphore, #tpu.memory_space<semaphore_mem>>, %arg17: memref<!tpu.dma_semaphore, #tpu.memory_space<semaphore_mem>>, %arg18: memref<!tpu.dma_semaphore, #tpu.memory_space<semaphore_mem>>, %arg19: memref<!tpu.dma_semaphore, #tpu.memory_space<semaphore_mem>>, %arg20: memref<!tpu.dma_semaphore, #tpu.memory_space<semaphore_mem>>, %arg21: memref<!tpu.dma_semaphore, #tpu.memory_space<semaphore_mem>>) attributes {dimension_semantics = [#tpu.dimension_semantics<core_parallel>, #tpu.dimension_semantics<subcore_parallel>], iteration_bounds = array<i64: 2, 16>, scalar_prefetch = 0 : i64, scratch_operands = 17 : i64, tpu.core_type = #tpu.core_type<sc_vector_subcore>, window_params = [{transform_indices = #map}, {transform_indices = #map1}, {transform_indices = #map}]} {
    %mul3A = arith.constant 2 : i32
    %mul3A_0 = arith.muli %arg1, %mul3A : i32
    %add3A = arith.addi %mul3A_0, %arg0 : i32
    %mul3A_1 = arith.constant 1024 : i32
    %mul3A_2 = arith.muli %add3A, %mul3A_1 : i32
    %add3A_3 = arith.constant 0 : i32
    %add3A_4 = arith.addi %mul3A_2, %add3A_3 : i32
    %jit3A = arith.constant 1024 : i32
    %div3A = arith.divsi %add3A_4, %jit3A : i32
    %sign3A = arith.constant 0 : i32
    %sign3A_5 = arith.cmpi sgt, %add3A_4, %sign3A : i32
    %sign3A_6 = arith.extui %sign3A_5 : i1 to i32
    %sign3A_7 = arith.constant 0 : i32
    %sign3A_8 = arith.cmpi slt, %add3A_4, %sign3A_7 : i32
    %sign3A_9 = arith.extui %sign3A_8 : i1 to i32
    %sign3A_10 = arith.subi %sign3A_6, %sign3A_9 : i32
    %sign3A_11 = arith.constant 0 : i32
    %sign3A_12 = arith.cmpi sgt, %jit3A, %sign3A_11 : i32
    %sign3A_13 = arith.extui %sign3A_12 : i1 to i32
    %sign3A_14 = arith.constant 0 : i32
    %sign3A_15 = arith.cmpi slt, %jit3A, %sign3A_14 : i32
    %sign3A_16 = arith.extui %sign3A_15 : i1 to i32
    %sign3A_17 = arith.subi %sign3A_13, %sign3A_16 : i32
    %ne3A = arith.cmpi ne, %sign3A_10, %sign3A_17 : i32
    %rem3A = arith.remsi %add3A_4, %jit3A : i32
    %ne3A_18 = arith.constant 0 : i32
    %ne3A_19 = arith.cmpi ne, %rem3A, %ne3A_18 : i32
    %and3A = arith.andi %ne3A, %ne3A_19 : i1
    %sub3A = arith.constant 1 : i32
    %sub3A_20 = arith.subi %div3A, %sub3A : i32
    %select_n3A = arith.select %and3A, %sub3A_20, %div3A : i32
    %mul3A_21 = arith.constant 1024 : i32
    %mul3A_22 = arith.muli %select_n3A, %mul3A_21 : i32
    %sub3A_23 = arith.subi %add3A_4, %mul3A_22 : i32
    %mul3A_24 = arith.constant 1024 : i32
    %mul3A_25 = arith.muli %select_n3A, %mul3A_24 : i32
    "tpu.region"() ({
      %run_scoped3A = tpu.sem_alloc : memref<!tpu.dma_semaphore, #tpu.memory_space<semaphore_mem>>
      %dma_start3A_692 = tpu.memref_slice %arg3[%sub3A_23] : memref<1024xi32, #tpu.memory_space<hbm>> -> memref<1024xi32, #tpu.memory_space<hbm>>
      %dma_start3A_693 = tpu.memref_slice %arg3[%sub3A_23] : memref<1024xi32, #tpu.memory_space<hbm>> -> memref<1024xi32, #tpu.memory_space<hbm>>
      tpu.enqueue_dma source(%dma_start3A_693 : memref<1024xi32, #tpu.memory_space<hbm>>) target(%arg5 : memref<1024xi32, #tpu.memory_space<vmem>>) target_semaphore(%run_scoped3A : memref<!tpu.dma_semaphore, #tpu.memory_space<semaphore_mem>>)
      %dma_wait3A_694 = tpu.memref_slice %arg3[%sub3A_23] : memref<1024xi32, #tpu.memory_space<hbm>> -> memref<1024xi32, #tpu.memory_space<hbm>>
      %dma_wait3A_695 = tpu.memref_slice %arg3[%sub3A_23] : memref<1024xi32, #tpu.memory_space<hbm>> -> memref<1024xi32, #tpu.memory_space<hbm>>
      tpu.wait_dma2 semaphore(%run_scoped3A : memref<!tpu.dma_semaphore, #tpu.memory_space<semaphore_mem>>) src(%dma_wait3A_695 : memref<1024xi32, #tpu.memory_space<hbm>>) dst(%arg5 : memref<1024xi32, #tpu.memory_space<vmem>>)
      tpu.yield
    }) : () -> ()
    %get3A = arith.constant 0 : index
    %get3A_26 = tpu.vector_load %arg5[%get3A] {strides = array<i32>} : memref<1024xi32, #tpu.memory_space<vmem>>, vector<16xi32>,
    %get3A_27 = vector.shape_cast %get3A_26 : vector<16xi32> to vector<16xi32>
    %add3A_28 = vector.broadcast %mul3A_25 : i32 to vector<16xi32>
    %add3A_29 = arith.addi %get3A_27, %add3A_28 : vector<16xi32>
    %swap3A = arith.constant 0 : index
    %swap3A_30 = tpu.vector_load %arg5[%swap3A] {strides = array<i32>} : memref<1024xi32, #tpu.memory_space<vmem>>, vector<16xi32>,
    %swap3A_31 = vector.shape_cast %swap3A_30 : vector<16xi32> to vector<16xi32>
    %swap3A_32 = vector.shape_cast %add3A_29 : vector<16xi32> to vector<16xi32>
    tpu.vector_store %arg5[%swap3A], %swap3A_32 {strides = array<i32>} : memref<1024xi32, #tpu.memory_space<vmem>>, vector<16xi32>,
    %get3A_33 = arith.constant 16 : index
    %get3A_34 = tpu.vector_load %arg5[%get3A_33] {strides = array<i32>} : memref<1024xi32, #tpu.memory_space<vmem>>, vector<16xi32>,
    %get3A_35 = vector.shape_cast %get3A_34 : vector<16xi32> to vector<16xi32>
    %add3A_36 = vector.broadcast %mul3A_25 : i32 to vector<16xi32>
    %add3A_37 = arith.addi %get3A_35, %add3A_36 : vector<16xi32>
    %swap3A_38 = arith.constant 16 : index
    %swap3A_39 = tpu.vector_load %arg5[%swap3A_38] {strides = array<i32>} : memref<1024xi32, #tpu.memory_space<vmem>>, vector<16xi32>,
    %swap3A_40 = vector.shape_cast %swap3A_39 : vector<16xi32> to vector<16xi32>
    %swap3A_41 = vector.shape_cast %add3A_37 : vector<16xi32> to vector<16xi32>
    tpu.vector_store %arg5[%swap3A_38], %swap3A_41 {strides = array<i32>} : memref<1024xi32, #tpu.memory_space<vmem>>, vector<16xi32>,
    %get3A_42 = arith.constant 32 : index
    %get3A_43 = tpu.vector_load %arg5[%get3A_42] {strides = array<i32>} : memref<1024xi32, #tpu.memory_space<vmem>>, vector<16xi32>,
    %get3A_44 = vector.shape_cast %get3A_43 : vector<16xi32> to vector<16xi32>
    %add3A_45 = vector.broadcast %mul3A_25 : i32 to vector<16xi32>
    %add3A_46 = arith.addi %get3A_44, %add3A_45 : vector<16xi32>
    %swap3A_47 = arith.constant 32 : index
    %swap3A_48 = tpu.vector_load %arg5[%swap3A_47] {strides = array<i32>} : memref<1024xi32, #tpu.memory_space<vmem>>, vector<16xi32>,
    %swap3A_49 = vector.shape_cast %swap3A_48 : vector<16xi32> to vector<16xi32>
    %swap3A_50 = vector.shape_cast %add3A_46 : vector<16xi32> to vector<16xi32>
    tpu.vector_store %arg5[%swap3A_47], %swap3A_50 {strides = array<i32>} : memref<1024xi32, #tpu.memory_space<vmem>>, vector<16xi32>,
    %get3A_51 = arith.constant 48 : index
    %get3A_52 = tpu.vector_load %arg5[%get3A_51] {strides = array<i32>} : memref<1024xi32, #tpu.memory_space<vmem>>, vector<16xi32>,
    %get3A_53 = vector.shape_cast %get3A_52 : vector<16xi32> to vector<16xi32>
    %add3A_54 = vector.broadcast %mul3A_25 : i32 to vector<16xi32>
    %add3A_55 = arith.addi %get3A_53, %add3A_54 : vector<16xi32>
    %swap3A_56 = arith.constant 48 : index
    %swap3A_57 = tpu.vector_load %arg5[%swap3A_56] {strides = array<i32>} : memref<1024xi32, #tpu.memory_space<vmem>>, vector<16xi32>,
    %swap3A_58 = vector.shape_cast %swap3A_57 : vector<16xi32> to vector<16xi32>
    %swap3A_59 = vector.shape_cast %add3A_55 : vector<16xi32> to vector<16xi32>
    tpu.vector_store %arg5[%swap3A_56], %swap3A_59 {strides = array<i32>} : memref<1024xi32, #tpu.memory_space<vmem>>, vector<16xi32>,
    %get3A_60 = arith.constant 64 : index
    %get3A_61 = tpu.vector_load %arg5[%get3A_60] {strides = array<i32>} : memref<1024xi32, #tpu.memory_space<vmem>>, vector<16xi32>,
    %get3A_62 = vector.shape_cast %get3A_61 : vector<16xi32> to vector<16xi32>
    %add3A_63 = vector.broadcast %mul3A_25 : i32 to vector<16xi32>
    %add3A_64 = arith.addi %get3A_62, %add3A_63 : vector<16xi32>
    %swap3A_65 = arith.constant 64 : index
    %swap3A_66 = tpu.vector_load %arg5[%swap3A_65] {strides = array<i32>} : memref<1024xi32, #tpu.memory_space<vmem>>, vector<16xi32>,
    %swap3A_67 = vector.shape_cast %swap3A_66 : vector<16xi32> to vector<16xi32>
    %swap3A_68 = vector.shape_cast %add3A_64 : vector<16xi32> to vector<16xi32>
    tpu.vector_store %arg5[%swap3A_65], %swap3A_68 {strides = array<i32>} : memref<1024xi32, #tpu.memory_space<vmem>>, vector<16xi32>,
    %get3A_69 = arith.constant 80 : index
    %get3A_70 = tpu.vector_load %arg5[%get3A_69] {strides = array<i32>} : memref<1024xi32, #tpu.memory_space<vmem>>, vector<16xi32>,
    %get3A_71 = vector.shape_cast %get3A_70 : vector<16xi32> to vector<16xi32>
    %add3A_72 = vector.broadcast %mul3A_25 : i32 to vector<16xi32>
    %add3A_73 = arith.addi %get3A_71, %add3A_72 : vector<16xi32>
    %swap3A_74 = arith.constant 80 : index
    %swap3A_75 = tpu.vector_load %arg5[%swap3A_74] {strides = array<i32>} : memref<1024xi32, #tpu.memory_space<vmem>>, vector<16xi32>,
    %swap3A_76 = vector.shape_cast %swap3A_75 : vector<16xi32> to vector<16xi32>
    %swap3A_77 = vector.shape_cast %add3A_73 : vector<16xi32> to vector<16xi32>
    tpu.vector_store %arg5[%swap3A_74], %swap3A_77 {strides = array<i32>} : memref<1024xi32, #tpu.memory_space<vmem>>, vector<16xi32>,
    %get3A_78 = arith.constant 96 : index
    %get3A_79 = tpu.vector_load %arg5[%get3A_78] {strides = array<i32>} : memref<1024xi32, #tpu.memory_space<vmem>>, vector<16xi32>,
    %get3A_80 = vector.shape_cast %get3A_79 : vector<16xi32> to vector<16xi32>
    %add3A_81 = vector.broadcast %mul3A_25 : i32 to vector<16xi32>
    %add3A_82 = arith.addi %get3A_80, %add3A_81 : vector<16xi32>
    %swap3A_83 = arith.constant 96 : index
    %swap3A_84 = tpu.vector_load %arg5[%swap3A_83] {strides = array<i32>} : memref<1024xi32, #tpu.memory_space<vmem>>, vector<16xi32>,
    %swap3A_85 = vector.shape_cast %swap3A_84 : vector<16xi32> to vector<16xi32>
    %swap3A_86 = vector.shape_cast %add3A_82 : vector<16xi32> to vector<16xi32>
    tpu.vector_store %arg5[%swap3A_83], %swap3A_86 {strides = array<i32>} : memref<1024xi32, #tpu.memory_space<vmem>>, vector<16xi32>,
    %get3A_87 = arith.constant 112 : index
    %get3A_88 = tpu.vector_load %arg5[%get3A_87] {strides = array<i32>} : memref<1024xi32, #tpu.memory_space<vmem>>, vector<16xi32>,
    %get3A_89 = vector.shape_cast %get3A_88 : vector<16xi32> to vector<16xi32>
    %add3A_90 = vector.broadcast %mul3A_25 : i32 to vector<16xi32>
    %add3A_91 = arith.addi %get3A_89, %add3A_90 : vector<16xi32>
    %swap3A_92 = arith.constant 112 : index
    %swap3A_93 = tpu.vector_load %arg5[%swap3A_92] {strides = array<i32>} : memref<1024xi32, #tpu.memory_space<vmem>>, vector<16xi32>,
    %swap3A_94 = vector.shape_cast %swap3A_93 : vector<16xi32> to vector<16xi32>
    %swap3A_95 = vector.shape_cast %add3A_91 : vector<16xi32> to vector<16xi32>
    tpu.vector_store %arg5[%swap3A_92], %swap3A_95 {strides = array<i32>} : memref<1024xi32, #tpu.memory_space<vmem>>, vector<16xi32>,
    %get3A_96 = arith.constant 128 : index
    %get3A_97 = tpu.vector_load %arg5[%get3A_96] {strides = array<i32>} : memref<1024xi32, #tpu.memory_space<vmem>>, vector<16xi32>,
    %get3A_98 = vector.shape_cast %get3A_97 : vector<16xi32> to vector<16xi32>
    %add3A_99 = vector.broadcast %mul3A_25 : i32 to vector<16xi32>
    %add3A_100 = arith.addi %get3A_98, %add3A_99 : vector<16xi32>
    %swap3A_101 = arith.constant 128 : index
    %swap3A_102 = tpu.vector_load %arg5[%swap3A_101] {strides = array<i32>} : memref<1024xi32, #tpu.memory_space<vmem>>, vector<16xi32>,
    %swap3A_103 = vector.shape_cast %swap3A_102 : vector<16xi32> to vector<16xi32>
    %swap3A_104 = vector.shape_cast %add3A_100 : vector<16xi32> to vector<16xi32>
    tpu.vector_store %arg5[%swap3A_101], %swap3A_104 {strides = array<i32>} : memref<1024xi32, #tpu.memory_space<vmem>>, vector<16xi32>,
    %get3A_105 = arith.constant 144 : index
    %get3A_106 = tpu.vector_load %arg5[%get3A_105] {strides = array<i32>} : memref<1024xi32, #tpu.memory_space<vmem>>, vector<16xi32>,
    %get3A_107 = vector.shape_cast %get3A_106 : vector<16xi32> to vector<16xi32>
    %add3A_108 = vector.broadcast %mul3A_25 : i32 to vector<16xi32>
    %add3A_109 = arith.addi %get3A_107, %add3A_108 : vector<16xi32>
    %swap3A_110 = arith.constant 144 : index
    %swap3A_111 = tpu.vector_load %arg5[%swap3A_110] {strides = array<i32>} : memref<1024xi32, #tpu.memory_space<vmem>>, vector<16xi32>,
    %swap3A_112 = vector.shape_cast %swap3A_111 : vector<16xi32> to vector<16xi32>
    %swap3A_113 = vector.shape_cast %add3A_109 : vector<16xi32> to vector<16xi32>
    tpu.vector_store %arg5[%swap3A_110], %swap3A_113 {strides = array<i32>} : memref<1024xi32, #tpu.memory_space<vmem>>, vector<16xi32>,
    %get3A_114 = arith.constant 160 : index
    %get3A_115 = tpu.vector_load %arg5[%get3A_114] {strides = array<i32>} : memref<1024xi32, #tpu.memory_space<vmem>>, vector<16xi32>,
    %get3A_116 = vector.shape_cast %get3A_115 : vector<16xi32> to vector<16xi32>
    %add3A_117 = vector.broadcast %mul3A_25 : i32 to vector<16xi32>
    %add3A_118 = arith.addi %get3A_116, %add3A_117 : vector<16xi32>
    %swap3A_119 = arith.constant 160 : index
    %swap3A_120 = tpu.vector_load %arg5[%swap3A_119] {strides = array<i32>} : memref<1024xi32, #tpu.memory_space<vmem>>, vector<16xi32>,
    %swap3A_121 = vector.shape_cast %swap3A_120 : vector<16xi32> to vector<16xi32>
    %swap3A_122 = vector.shape_cast %add3A_118 : vector<16xi32> to vector<16xi32>
    tpu.vector_store %arg5[%swap3A_119], %swap3A_122 {strides = array<i32>} : memref<1024xi32, #tpu.memory_space<vmem>>, vector<16xi32>,
    %get3A_123 = arith.constant 176 : index
    %get3A_124 = tpu.vector_load %arg5[%get3A_123] {strides = array<i32>} : memref<1024xi32, #tpu.memory_space<vmem>>, vector<16xi32>,
    %get3A_125 = vector.shape_cast %get3A_124 : vector<16xi32> to vector<16xi32>
    %add3A_126 = vector.broadcast %mul3A_25 : i32 to vector<16xi32>
    %add3A_127 = arith.addi %get3A_125, %add3A_126 : vector<16xi32>
    %swap3A_128 = arith.constant 176 : index
    %swap3A_129 = tpu.vector_load %arg5[%swap3A_128] {strides = array<i32>} : memref<1024xi32, #tpu.memory_space<vmem>>, vector<16xi32>,
    %swap3A_130 = vector.shape_cast %swap3A_129 : vector<16xi32> to vector<16xi32>
    %swap3A_131 = vector.shape_cast %add3A_127 : vector<16xi32> to vector<16xi32>
    tpu.vector_store %arg5[%swap3A_128], %swap3A_131 {strides = array<i32>} : memref<1024xi32, #tpu.memory_space<vmem>>, vector<16xi32>,
    %get3A_132 = arith.constant 192 : index
    %get3A_133 = tpu.vector_load %arg5[%get3A_132] {strides = array<i32>} : memref<1024xi32, #tpu.memory_space<vmem>>, vector<16xi32>,
    %get3A_134 = vector.shape_cast %get3A_133 : vector<16xi32> to vector<16xi32>
    %add3A_135 = vector.broadcast %mul3A_25 : i32 to vector<16xi32>
    %add3A_136 = arith.addi %get3A_134, %add3A_135 : vector<16xi32>
    %swap3A_137 = arith.constant 192 : index
    %swap3A_138 = tpu.vector_load %arg5[%swap3A_137] {strides = array<i32>} : memref<1024xi32, #tpu.memory_space<vmem>>, vector<16xi32>,
    %swap3A_139 = vector.shape_cast %swap3A_138 : vector<16xi32> to vector<16xi32>
    %swap3A_140 = vector.shape_cast %add3A_136 : vector<16xi32> to vector<16xi32>
    tpu.vector_store %arg5[%swap3A_137], %swap3A_140 {strides = array<i32>} : memref<1024xi32, #tpu.memory_space<vmem>>, vector<16xi32>,
    %get3A_141 = arith.constant 208 : index
    %get3A_142 = tpu.vector_load %arg5[%get3A_141] {strides = array<i32>} : memref<1024xi32, #tpu.memory_space<vmem>>, vector<16xi32>,
    %get3A_143 = vector.shape_cast %get3A_142 : vector<16xi32> to vector<16xi32>
    %add3A_144 = vector.broadcast %mul3A_25 : i32 to vector<16xi32>
    %add3A_145 = arith.addi %get3A_143, %add3A_144 : vector<16xi32>
    %swap3A_146 = arith.constant 208 : index
    %swap3A_147 = tpu.vector_load %arg5[%swap3A_146] {strides = array<i32>} : memref<1024xi32, #tpu.memory_space<vmem>>, vector<16xi32>,
    %swap3A_148 = vector.shape_cast %swap3A_147 : vector<16xi32> to vector<16xi32>
    %swap3A_149 = vector.shape_cast %add3A_145 : vector<16xi32> to vector<16xi32>
    tpu.vector_store %arg5[%swap3A_146], %swap3A_149 {strides = array<i32>} : memref<1024xi32, #tpu.memory_space<vmem>>, vector<16xi32>,
    %get3A_150 = arith.constant 224 : index
    %get3A_151 = tpu.vector_load %arg5[%get3A_150] {strides = array<i32>} : memref<1024xi32, #tpu.memory_space<vmem>>, vector<16xi32>,
    %get3A_152 = vector.shape_cast %get3A_151 : vector<16xi32> to vector<16xi32>
    %add3A_153 = vector.broadcast %mul3A_25 : i32 to vector<16xi32>
    %add3A_154 = arith.addi %get3A_152, %add3A_153 : vector<16xi32>
    %swap3A_155 = arith.constant 224 : index
    %swap3A_156 = tpu.vector_load %arg5[%swap3A_155] {strides = array<i32>} : memref<1024xi32, #tpu.memory_space<vmem>>, vector<16xi32>,
    %swap3A_157 = vector.shape_cast %swap3A_156 : vector<16xi32> to vector<16xi32>
    %swap3A_158 = vector.shape_cast %add3A_154 : vector<16xi32> to vector<16xi32>
    tpu.vector_store %arg5[%swap3A_155], %swap3A_158 {strides = array<i32>} : memref<1024xi32, #tpu.memory_space<vmem>>, vector<16xi32>,
    %get3A_159 = arith.constant 240 : index
    %get3A_160 = tpu.vector_load %arg5[%get3A_159] {strides = array<i32>} : memref<1024xi32, #tpu.memory_space<vmem>>, vector<16xi32>,
    %get3A_161 = vector.shape_cast %get3A_160 : vector<16xi32> to vector<16xi32>
    %add3A_162 = vector.broadcast %mul3A_25 : i32 to vector<16xi32>
    %add3A_163 = arith.addi %get3A_161, %add3A_162 : vector<16xi32>
    %swap3A_164 = arith.constant 240 : index
    %swap3A_165 = tpu.vector_load %arg5[%swap3A_164] {strides = array<i32>} : memref<1024xi32, #tpu.memory_space<vmem>>, vector<16xi32>,
    %swap3A_166 = vector.shape_cast %swap3A_165 : vector<16xi32> to vector<16xi32>
    %swap3A_167 = vector.shape_cast %add3A_163 : vector<16xi32> to vector<16xi32>
    tpu.vector_store %arg5[%swap3A_164], %swap3A_167 {strides = array<i32>} : memref<1024xi32, #tpu.memory_space<vmem>>, vector<16xi32>,
    %get3A_168 = arith.constant 256 : index
    %get3A_169 = tpu.vector_load %arg5[%get3A_168] {strides = array<i32>} : memref<1024xi32, #tpu.memory_space<vmem>>, vector<16xi32>,
    %get3A_170 = vector.shape_cast %get3A_169 : vector<16xi32> to vector<16xi32>
    %add3A_171 = vector.broadcast %mul3A_25 : i32 to vector<16xi32>
    %add3A_172 = arith.addi %get3A_170, %add3A_171 : vector<16xi32>
    %swap3A_173 = arith.constant 256 : index
    %swap3A_174 = tpu.vector_load %arg5[%swap3A_173] {strides = array<i32>} : memref<1024xi32, #tpu.memory_space<vmem>>, vector<16xi32>,
    %swap3A_175 = vector.shape_cast %swap3A_174 : vector<16xi32> to vector<16xi32>
    %swap3A_176 = vector.shape_cast %add3A_172 : vector<16xi32> to vector<16xi32>
    tpu.vector_store %arg5[%swap3A_173], %swap3A_176 {strides = array<i32>} : memref<1024xi32, #tpu.memory_space<vmem>>, vector<16xi32>,
    %get3A_177 = arith.constant 272 : index
    %get3A_178 = tpu.vector_load %arg5[%get3A_177] {strides = array<i32>} : memref<1024xi32, #tpu.memory_space<vmem>>, vector<16xi32>,
    %get3A_179 = vector.shape_cast %get3A_178 : vector<16xi32> to vector<16xi32>
    %add3A_180 = vector.broadcast %mul3A_25 : i32 to vector<16xi32>
    %add3A_181 = arith.addi %get3A_179, %add3A_180 : vector<16xi32>
    %swap3A_182 = arith.constant 272 : index
    %swap3A_183 = tpu.vector_load %arg5[%swap3A_182] {strides = array<i32>} : memref<1024xi32, #tpu.memory_space<vmem>>, vector<16xi32>,
    %swap3A_184 = vector.shape_cast %swap3A_183 : vector<16xi32> to vector<16xi32>
    %swap3A_185 = vector.shape_cast %add3A_181 : vector<16xi32> to vector<16xi32>
    tpu.vector_store %arg5[%swap3A_182], %swap3A_185 {strides = array<i32>} : memref<1024xi32, #tpu.memory_space<vmem>>, vector<16xi32>,
    %get3A_186 = arith.constant 288 : index
    %get3A_187 = tpu.vector_load %arg5[%get3A_186] {strides = array<i32>} : memref<1024xi32, #tpu.memory_space<vmem>>, vector<16xi32>,
    %get3A_188 = vector.shape_cast %get3A_187 : vector<16xi32> to vector<16xi32>
    %add3A_189 = vector.broadcast %mul3A_25 : i32 to vector<16xi32>
    %add3A_190 = arith.addi %get3A_188, %add3A_189 : vector<16xi32>
    %swap3A_191 = arith.constant 288 : index
    %swap3A_192 = tpu.vector_load %arg5[%swap3A_191] {strides = array<i32>} : memref<1024xi32, #tpu.memory_space<vmem>>, vector<16xi32>,
    %swap3A_193 = vector.shape_cast %swap3A_192 : vector<16xi32> to vector<16xi32>
    %swap3A_194 = vector.shape_cast %add3A_190 : vector<16xi32> to vector<16xi32>
    tpu.vector_store %arg5[%swap3A_191], %swap3A_194 {strides = array<i32>} : memref<1024xi32, #tpu.memory_space<vmem>>, vector<16xi32>,
    %get3A_195 = arith.constant 304 : index
    %get3A_196 = tpu.vector_load %arg5[%get3A_195] {strides = array<i32>} : memref<1024xi32, #tpu.memory_space<vmem>>, vector<16xi32>,
    %get3A_197 = vector.shape_cast %get3A_196 : vector<16xi32> to vector<16xi32>
    %add3A_198 = vector.broadcast %mul3A_25 : i32 to vector<16xi32>
    %add3A_199 = arith.addi %get3A_197, %add3A_198 : vector<16xi32>
    %swap3A_200 = arith.constant 304 : index
    %swap3A_201 = tpu.vector_load %arg5[%swap3A_200] {strides = array<i32>} : memref<1024xi32, #tpu.memory_space<vmem>>, vector<16xi32>,
    %swap3A_202 = vector.shape_cast %swap3A_201 : vector<16xi32> to vector<16xi32>
    %swap3A_203 = vector.shape_cast %add3A_199 : vector<16xi32> to vector<16xi32>
    tpu.vector_store %arg5[%swap3A_200], %swap3A_203 {strides = array<i32>} : memref<1024xi32, #tpu.memory_space<vmem>>, vector<16xi32>,
    %get3A_204 = arith.constant 320 : index
    %get3A_205 = tpu.vector_load %arg5[%get3A_204] {strides = array<i32>} : memref<1024xi32, #tpu.memory_space<vmem>>, vector<16xi32>,
    %get3A_206 = vector.shape_cast %get3A_205 : vector<16xi32> to vector<16xi32>
    %add3A_207 = vector.broadcast %mul3A_25 : i32 to vector<16xi32>
    %add3A_208 = arith.addi %get3A_206, %add3A_207 : vector<16xi32>
    %swap3A_209 = arith.constant 320 : index
    %swap3A_210 = tpu.vector_load %arg5[%swap3A_209] {strides = array<i32>} : memref<1024xi32, #tpu.memory_space<vmem>>, vector<16xi32>,
    %swap3A_211 = vector.shape_cast %swap3A_210 : vector<16xi32> to vector<16xi32>
    %swap3A_212 = vector.shape_cast %add3A_208 : vector<16xi32> to vector<16xi32>
    tpu.vector_store %arg5[%swap3A_209], %swap3A_212 {strides = array<i32>} : memref<1024xi32, #tpu.memory_space<vmem>>, vector<16xi32>,
    %get3A_213 = arith.constant 336 : index
    %get3A_214 = tpu.vector_load %arg5[%get3A_213] {strides = array<i32>} : memref<1024xi32, #tpu.memory_space<vmem>>, vector<16xi32>,
    %get3A_215 = vector.shape_cast %get3A_214 : vector<16xi32> to vector<16xi32>
    %add3A_216 = vector.broadcast %mul3A_25 : i32 to vector<16xi32>
    %add3A_217 = arith.addi %get3A_215, %add3A_216 : vector<16xi32>
    %swap3A_218 = arith.constant 336 : index
    %swap3A_219 = tpu.vector_load %arg5[%swap3A_218] {strides = array<i32>} : memref<1024xi32, #tpu.memory_space<vmem>>, vector<16xi32>,
    %swap3A_220 = vector.shape_cast %swap3A_219 : vector<16xi32> to vector<16xi32>
    %swap3A_221 = vector.shape_cast %add3A_217 : vector<16xi32> to vector<16xi32>
    tpu.vector_store %arg5[%swap3A_218], %swap3A_221 {strides = array<i32>} : memref<1024xi32, #tpu.memory_space<vmem>>, vector<16xi32>,
    %get3A_222 = arith.constant 352 : index
    %get3A_223 = tpu.vector_load %arg5[%get3A_222] {strides = array<i32>} : memref<1024xi32, #tpu.memory_space<vmem>>, vector<16xi32>,
    %get3A_224 = vector.shape_cast %get3A_223 : vector<16xi32> to vector<16xi32>
    %add3A_225 = vector.broadcast %mul3A_25 : i32 to vector<16xi32>
    %add3A_226 = arith.addi %get3A_224, %add3A_225 : vector<16xi32>
    %swap3A_227 = arith.constant 352 : index
    %swap3A_228 = tpu.vector_load %arg5[%swap3A_227] {strides = array<i32>} : memref<1024xi32, #tpu.memory_space<vmem>>, vector<16xi32>,
    %swap3A_229 = vector.shape_cast %swap3A_228 : vector<16xi32> to vector<16xi32>
    %swap3A_230 = vector.shape_cast %add3A_226 : vector<16xi32> to vector<16xi32>
    tpu.vector_store %arg5[%swap3A_227], %swap3A_230 {strides = array<i32>} : memref<1024xi32, #tpu.memory_space<vmem>>, vector<16xi32>,
    %get3A_231 = arith.constant 368 : index
    %get3A_232 = tpu.vector_load %arg5[%get3A_231] {strides = array<i32>} : memref<1024xi32, #tpu.memory_space<vmem>>, vector<16xi32>,
    %get3A_233 = vector.shape_cast %get3A_232 : vector<16xi32> to vector<16xi32>
    %add3A_234 = vector.broadcast %mul3A_25 : i32 to vector<16xi32>
    %add3A_235 = arith.addi %get3A_233, %add3A_234 : vector<16xi32>
    %swap3A_236 = arith.constant 368 : index
    %swap3A_237 = tpu.vector_load %arg5[%swap3A_236] {strides = array<i32>} : memref<1024xi32, #tpu.memory_space<vmem>>, vector<16xi32>,
    %swap3A_238 = vector.shape_cast %swap3A_237 : vector<16xi32> to vector<16xi32>
    %swap3A_239 = vector.shape_cast %add3A_235 : vector<16xi32> to vector<16xi32>
    tpu.vector_store %arg5[%swap3A_236], %swap3A_239 {strides = array<i32>} : memref<1024xi32, #tpu.memory_space<vmem>>, vector<16xi32>,
    %get3A_240 = arith.constant 384 : index
    %get3A_241 = tpu.vector_load %arg5[%get3A_240] {strides = array<i32>} : memref<1024xi32, #tpu.memory_space<vmem>>, vector<16xi32>,
    %get3A_242 = vector.shape_cast %get3A_241 : vector<16xi32> to vector<16xi32>
    %add3A_243 = vector.broadcast %mul3A_25 : i32 to vector<16xi32>
    %add3A_244 = arith.addi %get3A_242, %add3A_243 : vector<16xi32>
    %swap3A_245 = arith.constant 384 : index
    %swap3A_246 = tpu.vector_load %arg5[%swap3A_245] {strides = array<i32>} : memref<1024xi32, #tpu.memory_space<vmem>>, vector<16xi32>,
    %swap3A_247 = vector.shape_cast %swap3A_246 : vector<16xi32> to vector<16xi32>
    %swap3A_248 = vector.shape_cast %add3A_244 : vector<16xi32> to vector<16xi32>
    tpu.vector_store %arg5[%swap3A_245], %swap3A_248 {strides = array<i32>} : memref<1024xi32, #tpu.memory_space<vmem>>, vector<16xi32>,
    %get3A_249 = arith.constant 400 : index
    %get3A_250 = tpu.vector_load %arg5[%get3A_249] {strides = array<i32>} : memref<1024xi32, #tpu.memory_space<vmem>>, vector<16xi32>,
    %get3A_251 = vector.shape_cast %get3A_250 : vector<16xi32> to vector<16xi32>
    %add3A_252 = vector.broadcast %mul3A_25 : i32 to vector<16xi32>
    %add3A_253 = arith.addi %get3A_251, %add3A_252 : vector<16xi32>
    %swap3A_254 = arith.constant 400 : index
    %swap3A_255 = tpu.vector_load %arg5[%swap3A_254] {strides = array<i32>} : memref<1024xi32, #tpu.memory_space<vmem>>, vector<16xi32>,
    %swap3A_256 = vector.shape_cast %swap3A_255 : vector<16xi32> to vector<16xi32>
    %swap3A_257 = vector.shape_cast %add3A_253 : vector<16xi32> to vector<16xi32>
    tpu.vector_store %arg5[%swap3A_254], %swap3A_257 {strides = array<i32>} : memref<1024xi32, #tpu.memory_space<vmem>>, vector<16xi32>,
    %get3A_258 = arith.constant 416 : index
    %get3A_259 = tpu.vector_load %arg5[%get3A_258] {strides = array<i32>} : memref<1024xi32, #tpu.memory_space<vmem>>, vector<16xi32>,
    %get3A_260 = vector.shape_cast %get3A_259 : vector<16xi32> to vector<16xi32>
    %add3A_261 = vector.broadcast %mul3A_25 : i32 to vector<16xi32>
    %add3A_262 = arith.addi %get3A_260, %add3A_261 : vector<16xi32>
    %swap3A_263 = arith.constant 416 : index
    %swap3A_264 = tpu.vector_load %arg5[%swap3A_263] {strides = array<i32>} : memref<1024xi32, #tpu.memory_space<vmem>>, vector<16xi32>,
    %swap3A_265 = vector.shape_cast %swap3A_264 : vector<16xi32> to vector<16xi32>
    %swap3A_266 = vector.shape_cast %add3A_262 : vector<16xi32> to vector<16xi32>
    tpu.vector_store %arg5[%swap3A_263], %swap3A_266 {strides = array<i32>} : memref<1024xi32, #tpu.memory_space<vmem>>, vector<16xi32>,
    %get3A_267 = arith.constant 432 : index
    %get3A_268 = tpu.vector_load %arg5[%get3A_267] {strides = array<i32>} : memref<1024xi32, #tpu.memory_space<vmem>>, vector<16xi32>,
    %get3A_269 = vector.shape_cast %get3A_268 : vector<16xi32> to vector<16xi32>
    %add3A_270 = vector.broadcast %mul3A_25 : i32 to vector<16xi32>
    %add3A_271 = arith.addi %get3A_269, %add3A_270 : vector<16xi32>
    %swap3A_272 = arith.constant 432 : index
    %swap3A_273 = tpu.vector_load %arg5[%swap3A_272] {strides = array<i32>} : memref<1024xi32, #tpu.memory_space<vmem>>, vector<16xi32>,
    %swap3A_274 = vector.shape_cast %swap3A_273 : vector<16xi32> to vector<16xi32>
    %swap3A_275 = vector.shape_cast %add3A_271 : vector<16xi32> to vector<16xi32>
    tpu.vector_store %arg5[%swap3A_272], %swap3A_275 {strides = array<i32>} : memref<1024xi32, #tpu.memory_space<vmem>>, vector<16xi32>,
    %get3A_276 = arith.constant 448 : index
    %get3A_277 = tpu.vector_load %arg5[%get3A_276] {strides = array<i32>} : memref<1024xi32, #tpu.memory_space<vmem>>, vector<16xi32>,
    %get3A_278 = vector.shape_cast %get3A_277 : vector<16xi32> to vector<16xi32>
    %add3A_279 = vector.broadcast %mul3A_25 : i32 to vector<16xi32>
    %add3A_280 = arith.addi %get3A_278, %add3A_279 : vector<16xi32>
    %swap3A_281 = arith.constant 448 : index
    %swap3A_282 = tpu.vector_load %arg5[%swap3A_281] {strides = array<i32>} : memref<1024xi32, #tpu.memory_space<vmem>>, vector<16xi32>,
    %swap3A_283 = vector.shape_cast %swap3A_282 : vector<16xi32> to vector<16xi32>
    %swap3A_284 = vector.shape_cast %add3A_280 : vector<16xi32> to vector<16xi32>
    tpu.vector_store %arg5[%swap3A_281], %swap3A_284 {strides = array<i32>} : memref<1024xi32, #tpu.memory_space<vmem>>, vector<16xi32>,
    %get3A_285 = arith.constant 464 : index
    %get3A_286 = tpu.vector_load %arg5[%get3A_285] {strides = array<i32>} : memref<1024xi32, #tpu.memory_space<vmem>>, vector<16xi32>,
    %get3A_287 = vector.shape_cast %get3A_286 : vector<16xi32> to vector<16xi32>
    %add3A_288 = vector.broadcast %mul3A_25 : i32 to vector<16xi32>
    %add3A_289 = arith.addi %get3A_287, %add3A_288 : vector<16xi32>
    %swap3A_290 = arith.constant 464 : index
    %swap3A_291 = tpu.vector_load %arg5[%swap3A_290] {strides = array<i32>} : memref<1024xi32, #tpu.memory_space<vmem>>, vector<16xi32>,
    %swap3A_292 = vector.shape_cast %swap3A_291 : vector<16xi32> to vector<16xi32>
    %swap3A_293 = vector.shape_cast %add3A_289 : vector<16xi32> to vector<16xi32>
    tpu.vector_store %arg5[%swap3A_290], %swap3A_293 {strides = array<i32>} : memref<1024xi32, #tpu.memory_space<vmem>>, vector<16xi32>,
    %get3A_294 = arith.constant 480 : index
    %get3A_295 = tpu.vector_load %arg5[%get3A_294] {strides = array<i32>} : memref<1024xi32, #tpu.memory_space<vmem>>, vector<16xi32>,
    %get3A_296 = vector.shape_cast %get3A_295 : vector<16xi32> to vector<16xi32>
    %add3A_297 = vector.broadcast %mul3A_25 : i32 to vector<16xi32>
    %add3A_298 = arith.addi %get3A_296, %add3A_297 : vector<16xi32>
    %swap3A_299 = arith.constant 480 : index
    %swap3A_300 = tpu.vector_load %arg5[%swap3A_299] {strides = array<i32>} : memref<1024xi32, #tpu.memory_space<vmem>>, vector<16xi32>,
    %swap3A_301 = vector.shape_cast %swap3A_300 : vector<16xi32> to vector<16xi32>
    %swap3A_302 = vector.shape_cast %add3A_298 : vector<16xi32> to vector<16xi32>
    tpu.vector_store %arg5[%swap3A_299], %swap3A_302 {strides = array<i32>} : memref<1024xi32, #tpu.memory_space<vmem>>, vector<16xi32>,
    %get3A_303 = arith.constant 496 : index
    %get3A_304 = tpu.vector_load %arg5[%get3A_303] {strides = array<i32>} : memref<1024xi32, #tpu.memory_space<vmem>>, vector<16xi32>,
    %get3A_305 = vector.shape_cast %get3A_304 : vector<16xi32> to vector<16xi32>
    %add3A_306 = vector.broadcast %mul3A_25 : i32 to vector<16xi32>
    %add3A_307 = arith.addi %get3A_305, %add3A_306 : vector<16xi32>
    %swap3A_308 = arith.constant 496 : index
    %swap3A_309 = tpu.vector_load %arg5[%swap3A_308] {strides = array<i32>} : memref<1024xi32, #tpu.memory_space<vmem>>, vector<16xi32>,
    %swap3A_310 = vector.shape_cast %swap3A_309 : vector<16xi32> to vector<16xi32>
    %swap3A_311 = vector.shape_cast %add3A_307 : vector<16xi32> to vector<16xi32>
    tpu.vector_store %arg5[%swap3A_308], %swap3A_311 {strides = array<i32>} : memref<1024xi32, #tpu.memory_space<vmem>>, vector<16xi32>,
    %get3A_312 = arith.constant 512 : index
    %get3A_313 = tpu.vector_load %arg5[%get3A_312] {strides = array<i32>} : memref<1024xi32, #tpu.memory_space<vmem>>, vector<16xi32>,
    %get3A_314 = vector.shape_cast %get3A_313 : vector<16xi32> to vector<16xi32>
    %add3A_315 = vector.broadcast %mul3A_25 : i32 to vector<16xi32>
    %add3A_316 = arith.addi %get3A_314, %add3A_315 : vector<16xi32>
    %swap3A_317 = arith.constant 512 : index
    %swap3A_318 = tpu.vector_load %arg5[%swap3A_317] {strides = array<i32>} : memref<1024xi32, #tpu.memory_space<vmem>>, vector<16xi32>,
    %swap3A_319 = vector.shape_cast %swap3A_318 : vector<16xi32> to vector<16xi32>
    %swap3A_320 = vector.shape_cast %add3A_316 : vector<16xi32> to vector<16xi32>
    tpu.vector_store %arg5[%swap3A_317], %swap3A_320 {strides = array<i32>} : memref<1024xi32, #tpu.memory_space<vmem>>, vector<16xi32>,
    %get3A_321 = arith.constant 528 : index
    %get3A_322 = tpu.vector_load %arg5[%get3A_321] {strides = array<i32>} : memref<1024xi32, #tpu.memory_space<vmem>>, vector<16xi32>,
    %get3A_323 = vector.shape_cast %get3A_322 : vector<16xi32> to vector<16xi32>
    %add3A_324 = vector.broadcast %mul3A_25 : i32 to vector<16xi32>
    %add3A_325 = arith.addi %get3A_323, %add3A_324 : vector<16xi32>
    %swap3A_326 = arith.constant 528 : index
    %swap3A_327 = tpu.vector_load %arg5[%swap3A_326] {strides = array<i32>} : memref<1024xi32, #tpu.memory_space<vmem>>, vector<16xi32>,
    %swap3A_328 = vector.shape_cast %swap3A_327 : vector<16xi32> to vector<16xi32>
    %swap3A_329 = vector.shape_cast %add3A_325 : vector<16xi32> to vector<16xi32>
    tpu.vector_store %arg5[%swap3A_326], %swap3A_329 {strides = array<i32>} : memref<1024xi32, #tpu.memory_space<vmem>>, vector<16xi32>,
    %get3A_330 = arith.constant 544 : index
    %get3A_331 = tpu.vector_load %arg5[%get3A_330] {strides = array<i32>} : memref<1024xi32, #tpu.memory_space<vmem>>, vector<16xi32>,
    %get3A_332 = vector.shape_cast %get3A_331 : vector<16xi32> to vector<16xi32>
    %add3A_333 = vector.broadcast %mul3A_25 : i32 to vector<16xi32>
    %add3A_334 = arith.addi %get3A_332, %add3A_333 : vector<16xi32>
    %swap3A_335 = arith.constant 544 : index
    %swap3A_336 = tpu.vector_load %arg5[%swap3A_335] {strides = array<i32>} : memref<1024xi32, #tpu.memory_space<vmem>>, vector<16xi32>,
    %swap3A_337 = vector.shape_cast %swap3A_336 : vector<16xi32> to vector<16xi32>
    %swap3A_338 = vector.shape_cast %add3A_334 : vector<16xi32> to vector<16xi32>
    tpu.vector_store %arg5[%swap3A_335], %swap3A_338 {strides = array<i32>} : memref<1024xi32, #tpu.memory_space<vmem>>, vector<16xi32>,
    %get3A_339 = arith.constant 560 : index
    %get3A_340 = tpu.vector_load %arg5[%get3A_339] {strides = array<i32>} : memref<1024xi32, #tpu.memory_space<vmem>>, vector<16xi32>,
    %get3A_341 = vector.shape_cast %get3A_340 : vector<16xi32> to vector<16xi32>
    %add3A_342 = vector.broadcast %mul3A_25 : i32 to vector<16xi32>
    %add3A_343 = arith.addi %get3A_341, %add3A_342 : vector<16xi32>
    %swap3A_344 = arith.constant 560 : index
    %swap3A_345 = tpu.vector_load %arg5[%swap3A_344] {strides = array<i32>} : memref<1024xi32, #tpu.memory_space<vmem>>, vector<16xi32>,
    %swap3A_346 = vector.shape_cast %swap3A_345 : vector<16xi32> to vector<16xi32>
    %swap3A_347 = vector.shape_cast %add3A_343 : vector<16xi32> to vector<16xi32>
    tpu.vector_store %arg5[%swap3A_344], %swap3A_347 {strides = array<i32>} : memref<1024xi32, #tpu.memory_space<vmem>>, vector<16xi32>,
    %get3A_348 = arith.constant 576 : index
    %get3A_349 = tpu.vector_load %arg5[%get3A_348] {strides = array<i32>} : memref<1024xi32, #tpu.memory_space<vmem>>, vector<16xi32>,
    %get3A_350 = vector.shape_cast %get3A_349 : vector<16xi32> to vector<16xi32>
    %add3A_351 = vector.broadcast %mul3A_25 : i32 to vector<16xi32>
    %add3A_352 = arith.addi %get3A_350, %add3A_351 : vector<16xi32>
    %swap3A_353 = arith.constant 576 : index
    %swap3A_354 = tpu.vector_load %arg5[%swap3A_353] {strides = array<i32>} : memref<1024xi32, #tpu.memory_space<vmem>>, vector<16xi32>,
    %swap3A_355 = vector.shape_cast %swap3A_354 : vector<16xi32> to vector<16xi32>
    %swap3A_356 = vector.shape_cast %add3A_352 : vector<16xi32> to vector<16xi32>
    tpu.vector_store %arg5[%swap3A_353], %swap3A_356 {strides = array<i32>} : memref<1024xi32, #tpu.memory_space<vmem>>, vector<16xi32>,
    %get3A_357 = arith.constant 592 : index
    %get3A_358 = tpu.vector_load %arg5[%get3A_357] {strides = array<i32>} : memref<1024xi32, #tpu.memory_space<vmem>>, vector<16xi32>,
    %get3A_359 = vector.shape_cast %get3A_358 : vector<16xi32> to vector<16xi32>
    %add3A_360 = vector.broadcast %mul3A_25 : i32 to vector<16xi32>
    %add3A_361 = arith.addi %get3A_359, %add3A_360 : vector<16xi32>
    %swap3A_362 = arith.constant 592 : index
    %swap3A_363 = tpu.vector_load %arg5[%swap3A_362] {strides = array<i32>} : memref<1024xi32, #tpu.memory_space<vmem>>, vector<16xi32>,
    %swap3A_364 = vector.shape_cast %swap3A_363 : vector<16xi32> to vector<16xi32>
    %swap3A_365 = vector.shape_cast %add3A_361 : vector<16xi32> to vector<16xi32>
    tpu.vector_store %arg5[%swap3A_362], %swap3A_365 {strides = array<i32>} : memref<1024xi32, #tpu.memory_space<vmem>>, vector<16xi32>,
    %get3A_366 = arith.constant 608 : index
    %get3A_367 = tpu.vector_load %arg5[%get3A_366] {strides = array<i32>} : memref<1024xi32, #tpu.memory_space<vmem>>, vector<16xi32>,
    %get3A_368 = vector.shape_cast %get3A_367 : vector<16xi32> to vector<16xi32>
    %add3A_369 = vector.broadcast %mul3A_25 : i32 to vector<16xi32>
    %add3A_370 = arith.addi %get3A_368, %add3A_369 : vector<16xi32>
    %swap3A_371 = arith.constant 608 : index
    %swap3A_372 = tpu.vector_load %arg5[%swap3A_371] {strides = array<i32>} : memref<1024xi32, #tpu.memory_space<vmem>>, vector<16xi32>,
    %swap3A_373 = vector.shape_cast %swap3A_372 : vector<16xi32> to vector<16xi32>
    %swap3A_374 = vector.shape_cast %add3A_370 : vector<16xi32> to vector<16xi32>
    tpu.vector_store %arg5[%swap3A_371], %swap3A_374 {strides = array<i32>} : memref<1024xi32, #tpu.memory_space<vmem>>, vector<16xi32>,
    %get3A_375 = arith.constant 624 : index
    %get3A_376 = tpu.vector_load %arg5[%get3A_375] {strides = array<i32>} : memref<1024xi32, #tpu.memory_space<vmem>>, vector<16xi32>,
    %get3A_377 = vector.shape_cast %get3A_376 : vector<16xi32> to vector<16xi32>
    %add3A_378 = vector.broadcast %mul3A_25 : i32 to vector<16xi32>
    %add3A_379 = arith.addi %get3A_377, %add3A_378 : vector<16xi32>
    %swap3A_380 = arith.constant 624 : index
    %swap3A_381 = tpu.vector_load %arg5[%swap3A_380] {strides = array<i32>} : memref<1024xi32, #tpu.memory_space<vmem>>, vector<16xi32>,
    %swap3A_382 = vector.shape_cast %swap3A_381 : vector<16xi32> to vector<16xi32>
    %swap3A_383 = vector.shape_cast %add3A_379 : vector<16xi32> to vector<16xi32>
    tpu.vector_store %arg5[%swap3A_380], %swap3A_383 {strides = array<i32>} : memref<1024xi32, #tpu.memory_space<vmem>>, vector<16xi32>,
    %get3A_384 = arith.constant 640 : index
    %get3A_385 = tpu.vector_load %arg5[%get3A_384] {strides = array<i32>} : memref<1024xi32, #tpu.memory_space<vmem>>, vector<16xi32>,
    %get3A_386 = vector.shape_cast %get3A_385 : vector<16xi32> to vector<16xi32>
    %add3A_387 = vector.broadcast %mul3A_25 : i32 to vector<16xi32>
    %add3A_388 = arith.addi %get3A_386, %add3A_387 : vector<16xi32>
    %swap3A_389 = arith.constant 640 : index
    %swap3A_390 = tpu.vector_load %arg5[%swap3A_389] {strides = array<i32>} : memref<1024xi32, #tpu.memory_space<vmem>>, vector<16xi32>,
    %swap3A_391 = vector.shape_cast %swap3A_390 : vector<16xi32> to vector<16xi32>
    %swap3A_392 = vector.shape_cast %add3A_388 : vector<16xi32> to vector<16xi32>
    tpu.vector_store %arg5[%swap3A_389], %swap3A_392 {strides = array<i32>} : memref<1024xi32, #tpu.memory_space<vmem>>, vector<16xi32>,
    %get3A_393 = arith.constant 656 : index
    %get3A_394 = tpu.vector_load %arg5[%get3A_393] {strides = array<i32>} : memref<1024xi32, #tpu.memory_space<vmem>>, vector<16xi32>,
    %get3A_395 = vector.shape_cast %get3A_394 : vector<16xi32> to vector<16xi32>
    %add3A_396 = vector.broadcast %mul3A_25 : i32 to vector<16xi32>
    %add3A_397 = arith.addi %get3A_395, %add3A_396 : vector<16xi32>
    %swap3A_398 = arith.constant 656 : index
    %swap3A_399 = tpu.vector_load %arg5[%swap3A_398] {strides = array<i32>} : memref<1024xi32, #tpu.memory_space<vmem>>, vector<16xi32>,
    %swap3A_400 = vector.shape_cast %swap3A_399 : vector<16xi32> to vector<16xi32>
    %swap3A_401 = vector.shape_cast %add3A_397 : vector<16xi32> to vector<16xi32>
    tpu.vector_store %arg5[%swap3A_398], %swap3A_401 {strides = array<i32>} : memref<1024xi32, #tpu.memory_space<vmem>>, vector<16xi32>,
    %get3A_402 = arith.constant 672 : index
    %get3A_403 = tpu.vector_load %arg5[%get3A_402] {strides = array<i32>} : memref<1024xi32, #tpu.memory_space<vmem>>, vector<16xi32>,
    %get3A_404 = vector.shape_cast %get3A_403 : vector<16xi32> to vector<16xi32>
    %add3A_405 = vector.broadcast %mul3A_25 : i32 to vector<16xi32>
    %add3A_406 = arith.addi %get3A_404, %add3A_405 : vector<16xi32>
    %swap3A_407 = arith.constant 672 : index
    %swap3A_408 = tpu.vector_load %arg5[%swap3A_407] {strides = array<i32>} : memref<1024xi32, #tpu.memory_space<vmem>>, vector<16xi32>,
    %swap3A_409 = vector.shape_cast %swap3A_408 : vector<16xi32> to vector<16xi32>
    %swap3A_410 = vector.shape_cast %add3A_406 : vector<16xi32> to vector<16xi32>
    tpu.vector_store %arg5[%swap3A_407], %swap3A_410 {strides = array<i32>} : memref<1024xi32, #tpu.memory_space<vmem>>, vector<16xi32>,
    %get3A_411 = arith.constant 688 : index
    %get3A_412 = tpu.vector_load %arg5[%get3A_411] {strides = array<i32>} : memref<1024xi32, #tpu.memory_space<vmem>>, vector<16xi32>,
    %get3A_413 = vector.shape_cast %get3A_412 : vector<16xi32> to vector<16xi32>
    %add3A_414 = vector.broadcast %mul3A_25 : i32 to vector<16xi32>
    %add3A_415 = arith.addi %get3A_413, %add3A_414 : vector<16xi32>
    %swap3A_416 = arith.constant 688 : index
    %swap3A_417 = tpu.vector_load %arg5[%swap3A_416] {strides = array<i32>} : memref<1024xi32, #tpu.memory_space<vmem>>, vector<16xi32>,
    %swap3A_418 = vector.shape_cast %swap3A_417 : vector<16xi32> to vector<16xi32>
    %swap3A_419 = vector.shape_cast %add3A_415 : vector<16xi32> to vector<16xi32>
    tpu.vector_store %arg5[%swap3A_416], %swap3A_419 {strides = array<i32>} : memref<1024xi32, #tpu.memory_space<vmem>>, vector<16xi32>,
    %get3A_420 = arith.constant 704 : index
    %get3A_421 = tpu.vector_load %arg5[%get3A_420] {strides = array<i32>} : memref<1024xi32, #tpu.memory_space<vmem>>, vector<16xi32>,
    %get3A_422 = vector.shape_cast %get3A_421 : vector<16xi32> to vector<16xi32>
    %add3A_423 = vector.broadcast %mul3A_25 : i32 to vector<16xi32>
    %add3A_424 = arith.addi %get3A_422, %add3A_423 : vector<16xi32>
    %swap3A_425 = arith.constant 704 : index
    %swap3A_426 = tpu.vector_load %arg5[%swap3A_425] {strides = array<i32>} : memref<1024xi32, #tpu.memory_space<vmem>>, vector<16xi32>,
    %swap3A_427 = vector.shape_cast %swap3A_426 : vector<16xi32> to vector<16xi32>
    %swap3A_428 = vector.shape_cast %add3A_424 : vector<16xi32> to vector<16xi32>
    tpu.vector_store %arg5[%swap3A_425], %swap3A_428 {strides = array<i32>} : memref<1024xi32, #tpu.memory_space<vmem>>, vector<16xi32>,
    %get3A_429 = arith.constant 720 : index
    %get3A_430 = tpu.vector_load %arg5[%get3A_429] {strides = array<i32>} : memref<1024xi32, #tpu.memory_space<vmem>>, vector<16xi32>,
    %get3A_431 = vector.shape_cast %get3A_430 : vector<16xi32> to vector<16xi32>
    %add3A_432 = vector.broadcast %mul3A_25 : i32 to vector<16xi32>
    %add3A_433 = arith.addi %get3A_431, %add3A_432 : vector<16xi32>
    %swap3A_434 = arith.constant 720 : index
    %swap3A_435 = tpu.vector_load %arg5[%swap3A_434] {strides = array<i32>} : memref<1024xi32, #tpu.memory_space<vmem>>, vector<16xi32>,
    %swap3A_436 = vector.shape_cast %swap3A_435 : vector<16xi32> to vector<16xi32>
    %swap3A_437 = vector.shape_cast %add3A_433 : vector<16xi32> to vector<16xi32>
    tpu.vector_store %arg5[%swap3A_434], %swap3A_437 {strides = array<i32>} : memref<1024xi32, #tpu.memory_space<vmem>>, vector<16xi32>,
    %get3A_438 = arith.constant 736 : index
    %get3A_439 = tpu.vector_load %arg5[%get3A_438] {strides = array<i32>} : memref<1024xi32, #tpu.memory_space<vmem>>, vector<16xi32>,
    %get3A_440 = vector.shape_cast %get3A_439 : vector<16xi32> to vector<16xi32>
    %add3A_441 = vector.broadcast %mul3A_25 : i32 to vector<16xi32>
    %add3A_442 = arith.addi %get3A_440, %add3A_441 : vector<16xi32>
    %swap3A_443 = arith.constant 736 : index
    %swap3A_444 = tpu.vector_load %arg5[%swap3A_443] {strides = array<i32>} : memref<1024xi32, #tpu.memory_space<vmem>>, vector<16xi32>,
    %swap3A_445 = vector.shape_cast %swap3A_444 : vector<16xi32> to vector<16xi32>
    %swap3A_446 = vector.shape_cast %add3A_442 : vector<16xi32> to vector<16xi32>
    tpu.vector_store %arg5[%swap3A_443], %swap3A_446 {strides = array<i32>} : memref<1024xi32, #tpu.memory_space<vmem>>, vector<16xi32>,
    %get3A_447 = arith.constant 752 : index
    %get3A_448 = tpu.vector_load %arg5[%get3A_447] {strides = array<i32>} : memref<1024xi32, #tpu.memory_space<vmem>>, vector<16xi32>,
    %get3A_449 = vector.shape_cast %get3A_448 : vector<16xi32> to vector<16xi32>
    %add3A_450 = vector.broadcast %mul3A_25 : i32 to vector<16xi32>
    %add3A_451 = arith.addi %get3A_449, %add3A_450 : vector<16xi32>
    %swap3A_452 = arith.constant 752 : index
    %swap3A_453 = tpu.vector_load %arg5[%swap3A_452] {strides = array<i32>} : memref<1024xi32, #tpu.memory_space<vmem>>, vector<16xi32>,
    %swap3A_454 = vector.shape_cast %swap3A_453 : vector<16xi32> to vector<16xi32>
    %swap3A_455 = vector.shape_cast %add3A_451 : vector<16xi32> to vector<16xi32>
    tpu.vector_store %arg5[%swap3A_452], %swap3A_455 {strides = array<i32>} : memref<1024xi32, #tpu.memory_space<vmem>>, vector<16xi32>,
    %get3A_456 = arith.constant 768 : index
    %get3A_457 = tpu.vector_load %arg5[%get3A_456] {strides = array<i32>} : memref<1024xi32, #tpu.memory_space<vmem>>, vector<16xi32>,
    %get3A_458 = vector.shape_cast %get3A_457 : vector<16xi32> to vector<16xi32>
    %add3A_459 = vector.broadcast %mul3A_25 : i32 to vector<16xi32>
    %add3A_460 = arith.addi %get3A_458, %add3A_459 : vector<16xi32>
    %swap3A_461 = arith.constant 768 : index
    %swap3A_462 = tpu.vector_load %arg5[%swap3A_461] {strides = array<i32>} : memref<1024xi32, #tpu.memory_space<vmem>>, vector<16xi32>,
    %swap3A_463 = vector.shape_cast %swap3A_462 : vector<16xi32> to vector<16xi32>
    %swap3A_464 = vector.shape_cast %add3A_460 : vector<16xi32> to vector<16xi32>
    tpu.vector_store %arg5[%swap3A_461], %swap3A_464 {strides = array<i32>} : memref<1024xi32, #tpu.memory_space<vmem>>, vector<16xi32>,
    %get3A_465 = arith.constant 784 : index
    %get3A_466 = tpu.vector_load %arg5[%get3A_465] {strides = array<i32>} : memref<1024xi32, #tpu.memory_space<vmem>>, vector<16xi32>,
    %get3A_467 = vector.shape_cast %get3A_466 : vector<16xi32> to vector<16xi32>
    %add3A_468 = vector.broadcast %mul3A_25 : i32 to vector<16xi32>
    %add3A_469 = arith.addi %get3A_467, %add3A_468 : vector<16xi32>
    %swap3A_470 = arith.constant 784 : index
    %swap3A_471 = tpu.vector_load %arg5[%swap3A_470] {strides = array<i32>} : memref<1024xi32, #tpu.memory_space<vmem>>, vector<16xi32>,
    %swap3A_472 = vector.shape_cast %swap3A_471 : vector<16xi32> to vector<16xi32>
    %swap3A_473 = vector.shape_cast %add3A_469 : vector<16xi32> to vector<16xi32>
    tpu.vector_store %arg5[%swap3A_470], %swap3A_473 {strides = array<i32>} : memref<1024xi32, #tpu.memory_space<vmem>>, vector<16xi32>,
    %get3A_474 = arith.constant 800 : index
    %get3A_475 = tpu.vector_load %arg5[%get3A_474] {strides = array<i32>} : memref<1024xi32, #tpu.memory_space<vmem>>, vector<16xi32>,
    %get3A_476 = vector.shape_cast %get3A_475 : vector<16xi32> to vector<16xi32>
    %add3A_477 = vector.broadcast %mul3A_25 : i32 to vector<16xi32>
    %add3A_478 = arith.addi %get3A_476, %add3A_477 : vector<16xi32>
    %swap3A_479 = arith.constant 800 : index
    %swap3A_480 = tpu.vector_load %arg5[%swap3A_479] {strides = array<i32>} : memref<1024xi32, #tpu.memory_space<vmem>>, vector<16xi32>,
    %swap3A_481 = vector.shape_cast %swap3A_480 : vector<16xi32> to vector<16xi32>
    %swap3A_482 = vector.shape_cast %add3A_478 : vector<16xi32> to vector<16xi32>
    tpu.vector_store %arg5[%swap3A_479], %swap3A_482 {strides = array<i32>} : memref<1024xi32, #tpu.memory_space<vmem>>, vector<16xi32>,
    %get3A_483 = arith.constant 816 : index
    %get3A_484 = tpu.vector_load %arg5[%get3A_483] {strides = array<i32>} : memref<1024xi32, #tpu.memory_space<vmem>>, vector<16xi32>,
    %get3A_485 = vector.shape_cast %get3A_484 : vector<16xi32> to vector<16xi32>
    %add3A_486 = vector.broadcast %mul3A_25 : i32 to vector<16xi32>
    %add3A_487 = arith.addi %get3A_485, %add3A_486 : vector<16xi32>
    %swap3A_488 = arith.constant 816 : index
    %swap3A_489 = tpu.vector_load %arg5[%swap3A_488] {strides = array<i32>} : memref<1024xi32, #tpu.memory_space<vmem>>, vector<16xi32>,
    %swap3A_490 = vector.shape_cast %swap3A_489 : vector<16xi32> to vector<16xi32>
    %swap3A_491 = vector.shape_cast %add3A_487 : vector<16xi32> to vector<16xi32>
    tpu.vector_store %arg5[%swap3A_488], %swap3A_491 {strides = array<i32>} : memref<1024xi32, #tpu.memory_space<vmem>>, vector<16xi32>,
    %get3A_492 = arith.constant 832 : index
    %get3A_493 = tpu.vector_load %arg5[%get3A_492] {strides = array<i32>} : memref<1024xi32, #tpu.memory_space<vmem>>, vector<16xi32>,
    %get3A_494 = vector.shape_cast %get3A_493 : vector<16xi32> to vector<16xi32>
    %add3A_495 = vector.broadcast %mul3A_25 : i32 to vector<16xi32>
    %add3A_496 = arith.addi %get3A_494, %add3A_495 : vector<16xi32>
    %swap3A_497 = arith.constant 832 : index
    %swap3A_498 = tpu.vector_load %arg5[%swap3A_497] {strides = array<i32>} : memref<1024xi32, #tpu.memory_space<vmem>>, vector<16xi32>,
    %swap3A_499 = vector.shape_cast %swap3A_498 : vector<16xi32> to vector<16xi32>
    %swap3A_500 = vector.shape_cast %add3A_496 : vector<16xi32> to vector<16xi32>
    tpu.vector_store %arg5[%swap3A_497], %swap3A_500 {strides = array<i32>} : memref<1024xi32, #tpu.memory_space<vmem>>, vector<16xi32>,
    %get3A_501 = arith.constant 848 : index
    %get3A_502 = tpu.vector_load %arg5[%get3A_501] {strides = array<i32>} : memref<1024xi32, #tpu.memory_space<vmem>>, vector<16xi32>,
    %get3A_503 = vector.shape_cast %get3A_502 : vector<16xi32> to vector<16xi32>
    %add3A_504 = vector.broadcast %mul3A_25 : i32 to vector<16xi32>
    %add3A_505 = arith.addi %get3A_503, %add3A_504 : vector<16xi32>
    %swap3A_506 = arith.constant 848 : index
    %swap3A_507 = tpu.vector_load %arg5[%swap3A_506] {strides = array<i32>} : memref<1024xi32, #tpu.memory_space<vmem>>, vector<16xi32>,
    %swap3A_508 = vector.shape_cast %swap3A_507 : vector<16xi32> to vector<16xi32>
    %swap3A_509 = vector.shape_cast %add3A_505 : vector<16xi32> to vector<16xi32>
    tpu.vector_store %arg5[%swap3A_506], %swap3A_509 {strides = array<i32>} : memref<1024xi32, #tpu.memory_space<vmem>>, vector<16xi32>,
    %get3A_510 = arith.constant 864 : index
    %get3A_511 = tpu.vector_load %arg5[%get3A_510] {strides = array<i32>} : memref<1024xi32, #tpu.memory_space<vmem>>, vector<16xi32>,
    %get3A_512 = vector.shape_cast %get3A_511 : vector<16xi32> to vector<16xi32>
    %add3A_513 = vector.broadcast %mul3A_25 : i32 to vector<16xi32>
    %add3A_514 = arith.addi %get3A_512, %add3A_513 : vector<16xi32>
    %swap3A_515 = arith.constant 864 : index
    %swap3A_516 = tpu.vector_load %arg5[%swap3A_515] {strides = array<i32>} : memref<1024xi32, #tpu.memory_space<vmem>>, vector<16xi32>,
    %swap3A_517 = vector.shape_cast %swap3A_516 : vector<16xi32> to vector<16xi32>
    %swap3A_518 = vector.shape_cast %add3A_514 : vector<16xi32> to vector<16xi32>
    tpu.vector_store %arg5[%swap3A_515], %swap3A_518 {strides = array<i32>} : memref<1024xi32, #tpu.memory_space<vmem>>, vector<16xi32>,
    %get3A_519 = arith.constant 880 : index
    %get3A_520 = tpu.vector_load %arg5[%get3A_519] {strides = array<i32>} : memref<1024xi32, #tpu.memory_space<vmem>>, vector<16xi32>,
    %get3A_521 = vector.shape_cast %get3A_520 : vector<16xi32> to vector<16xi32>
    %add3A_522 = vector.broadcast %mul3A_25 : i32 to vector<16xi32>
    %add3A_523 = arith.addi %get3A_521, %add3A_522 : vector<16xi32>
    %swap3A_524 = arith.constant 880 : index
    %swap3A_525 = tpu.vector_load %arg5[%swap3A_524] {strides = array<i32>} : memref<1024xi32, #tpu.memory_space<vmem>>, vector<16xi32>,
    %swap3A_526 = vector.shape_cast %swap3A_525 : vector<16xi32> to vector<16xi32>
    %swap3A_527 = vector.shape_cast %add3A_523 : vector<16xi32> to vector<16xi32>
    tpu.vector_store %arg5[%swap3A_524], %swap3A_527 {strides = array<i32>} : memref<1024xi32, #tpu.memory_space<vmem>>, vector<16xi32>,
    %get3A_528 = arith.constant 896 : index
    %get3A_529 = tpu.vector_load %arg5[%get3A_528] {strides = array<i32>} : memref<1024xi32, #tpu.memory_space<vmem>>, vector<16xi32>,
    %get3A_530 = vector.shape_cast %get3A_529 : vector<16xi32> to vector<16xi32>
    %add3A_531 = vector.broadcast %mul3A_25 : i32 to vector<16xi32>
    %add3A_532 = arith.addi %get3A_530, %add3A_531 : vector<16xi32>
    %swap3A_533 = arith.constant 896 : index
    %swap3A_534 = tpu.vector_load %arg5[%swap3A_533] {strides = array<i32>} : memref<1024xi32, #tpu.memory_space<vmem>>, vector<16xi32>,
    %swap3A_535 = vector.shape_cast %swap3A_534 : vector<16xi32> to vector<16xi32>
    %swap3A_536 = vector.shape_cast %add3A_532 : vector<16xi32> to vector<16xi32>
    tpu.vector_store %arg5[%swap3A_533], %swap3A_536 {strides = array<i32>} : memref<1024xi32, #tpu.memory_space<vmem>>, vector<16xi32>,
    %get3A_537 = arith.constant 912 : index
    %get3A_538 = tpu.vector_load %arg5[%get3A_537] {strides = array<i32>} : memref<1024xi32, #tpu.memory_space<vmem>>, vector<16xi32>,
    %get3A_539 = vector.shape_cast %get3A_538 : vector<16xi32> to vector<16xi32>
    %add3A_540 = vector.broadcast %mul3A_25 : i32 to vector<16xi32>
    %add3A_541 = arith.addi %get3A_539, %add3A_540 : vector<16xi32>
    %swap3A_542 = arith.constant 912 : index
    %swap3A_543 = tpu.vector_load %arg5[%swap3A_542] {strides = array<i32>} : memref<1024xi32, #tpu.memory_space<vmem>>, vector<16xi32>,
    %swap3A_544 = vector.shape_cast %swap3A_543 : vector<16xi32> to vector<16xi32>
    %swap3A_545 = vector.shape_cast %add3A_541 : vector<16xi32> to vector<16xi32>
    tpu.vector_store %arg5[%swap3A_542], %swap3A_545 {strides = array<i32>} : memref<1024xi32, #tpu.memory_space<vmem>>, vector<16xi32>,
    %get3A_546 = arith.constant 928 : index
    %get3A_547 = tpu.vector_load %arg5[%get3A_546] {strides = array<i32>} : memref<1024xi32, #tpu.memory_space<vmem>>, vector<16xi32>,
    %get3A_548 = vector.shape_cast %get3A_547 : vector<16xi32> to vector<16xi32>
    %add3A_549 = vector.broadcast %mul3A_25 : i32 to vector<16xi32>
    %add3A_550 = arith.addi %get3A_548, %add3A_549 : vector<16xi32>
    %swap3A_551 = arith.constant 928 : index
    %swap3A_552 = tpu.vector_load %arg5[%swap3A_551] {strides = array<i32>} : memref<1024xi32, #tpu.memory_space<vmem>>, vector<16xi32>,
    %swap3A_553 = vector.shape_cast %swap3A_552 : vector<16xi32> to vector<16xi32>
    %swap3A_554 = vector.shape_cast %add3A_550 : vector<16xi32> to vector<16xi32>
    tpu.vector_store %arg5[%swap3A_551], %swap3A_554 {strides = array<i32>} : memref<1024xi32, #tpu.memory_space<vmem>>, vector<16xi32>,
    %get3A_555 = arith.constant 944 : index
    %get3A_556 = tpu.vector_load %arg5[%get3A_555] {strides = array<i32>} : memref<1024xi32, #tpu.memory_space<vmem>>, vector<16xi32>,
    %get3A_557 = vector.shape_cast %get3A_556 : vector<16xi32> to vector<16xi32>
    %add3A_558 = vector.broadcast %mul3A_25 : i32 to vector<16xi32>
    %add3A_559 = arith.addi %get3A_557, %add3A_558 : vector<16xi32>
    %swap3A_560 = arith.constant 944 : index
    %swap3A_561 = tpu.vector_load %arg5[%swap3A_560] {strides = array<i32>} : memref<1024xi32, #tpu.memory_space<vmem>>, vector<16xi32>,
    %swap3A_562 = vector.shape_cast %swap3A_561 : vector<16xi32> to vector<16xi32>
    %swap3A_563 = vector.shape_cast %add3A_559 : vector<16xi32> to vector<16xi32>
    tpu.vector_store %arg5[%swap3A_560], %swap3A_563 {strides = array<i32>} : memref<1024xi32, #tpu.memory_space<vmem>>, vector<16xi32>,
    %get3A_564 = arith.constant 960 : index
    %get3A_565 = tpu.vector_load %arg5[%get3A_564] {strides = array<i32>} : memref<1024xi32, #tpu.memory_space<vmem>>, vector<16xi32>,
    %get3A_566 = vector.shape_cast %get3A_565 : vector<16xi32> to vector<16xi32>
    %add3A_567 = vector.broadcast %mul3A_25 : i32 to vector<16xi32>
    %add3A_568 = arith.addi %get3A_566, %add3A_567 : vector<16xi32>
    %swap3A_569 = arith.constant 960 : index
    %swap3A_570 = tpu.vector_load %arg5[%swap3A_569] {strides = array<i32>} : memref<1024xi32, #tpu.memory_space<vmem>>, vector<16xi32>,
    %swap3A_571 = vector.shape_cast %swap3A_570 : vector<16xi32> to vector<16xi32>
    %swap3A_572 = vector.shape_cast %add3A_568 : vector<16xi32> to vector<16xi32>
    tpu.vector_store %arg5[%swap3A_569], %swap3A_572 {strides = array<i32>} : memref<1024xi32, #tpu.memory_space<vmem>>, vector<16xi32>,
    %get3A_573 = arith.constant 976 : index
    %get3A_574 = tpu.vector_load %arg5[%get3A_573] {strides = array<i32>} : memref<1024xi32, #tpu.memory_space<vmem>>, vector<16xi32>,
    %get3A_575 = vector.shape_cast %get3A_574 : vector<16xi32> to vector<16xi32>
    %add3A_576 = vector.broadcast %mul3A_25 : i32 to vector<16xi32>
    %add3A_577 = arith.addi %get3A_575, %add3A_576 : vector<16xi32>
    %swap3A_578 = arith.constant 976 : index
    %swap3A_579 = tpu.vector_load %arg5[%swap3A_578] {strides = array<i32>} : memref<1024xi32, #tpu.memory_space<vmem>>, vector<16xi32>,
    %swap3A_580 = vector.shape_cast %swap3A_579 : vector<16xi32> to vector<16xi32>
    %swap3A_581 = vector.shape_cast %add3A_577 : vector<16xi32> to vector<16xi32>
    tpu.vector_store %arg5[%swap3A_578], %swap3A_581 {strides = array<i32>} : memref<1024xi32, #tpu.memory_space<vmem>>, vector<16xi32>,
    %get3A_582 = arith.constant 992 : index
    %get3A_583 = tpu.vector_load %arg5[%get3A_582] {strides = array<i32>} : memref<1024xi32, #tpu.memory_space<vmem>>, vector<16xi32>,
    %get3A_584 = vector.shape_cast %get3A_583 : vector<16xi32> to vector<16xi32>
    %add3A_585 = vector.broadcast %mul3A_25 : i32 to vector<16xi32>
    %add3A_586 = arith.addi %get3A_584, %add3A_585 : vector<16xi32>
    %swap3A_587 = arith.constant 992 : index
    %swap3A_588 = tpu.vector_load %arg5[%swap3A_587] {strides = array<i32>} : memref<1024xi32, #tpu.memory_space<vmem>>, vector<16xi32>,
    %swap3A_589 = vector.shape_cast %swap3A_588 : vector<16xi32> to vector<16xi32>
    %swap3A_590 = vector.shape_cast %add3A_586 : vector<16xi32> to vector<16xi32>
    tpu.vector_store %arg5[%swap3A_587], %swap3A_590 {strides = array<i32>} : memref<1024xi32, #tpu.memory_space<vmem>>, vector<16xi32>,
    %get3A_591 = arith.constant 1008 : index
    %get3A_592 = tpu.vector_load %arg5[%get3A_591] {strides = array<i32>} : memref<1024xi32, #tpu.memory_space<vmem>>, vector<16xi32>,
    %get3A_593 = vector.shape_cast %get3A_592 : vector<16xi32> to vector<16xi32>
    %add3A_594 = vector.broadcast %mul3A_25 : i32 to vector<16xi32>
    %add3A_595 = arith.addi %get3A_593, %add3A_594 : vector<16xi32>
    %swap3A_596 = arith.constant 1008 : index
    %swap3A_597 = tpu.vector_load %arg5[%swap3A_596] {strides = array<i32>} : memref<1024xi32, #tpu.memory_space<vmem>>, vector<16xi32>,
    %swap3A_598 = vector.shape_cast %swap3A_597 : vector<16xi32> to vector<16xi32>
    %swap3A_599 = vector.shape_cast %add3A_595 : vector<16xi32> to vector<16xi32>
    tpu.vector_store %arg5[%swap3A_596], %swap3A_599 {strides = array<i32>} : memref<1024xi32, #tpu.memory_space<vmem>>, vector<16xi32>,
    %dma_start3A = arith.constant 0 : i32
    %dma_start3A_600 = arith.constant 0 : i32
    %dma_start3A_601 = tpu.memref_slice %arg6[%dma_start3A, %dma_start3A_600] : memref<32x768xf32, #tpu.memory_space<vmem>> -> memref<16x768xf32, #tpu.memory_space<vmem>>
    %dma_start3A_602 = arith.constant 0 : i32
    %dma_start3A_603 = tpu.memref_slice %arg5[%dma_start3A_602] : memref<1024xi32, #tpu.memory_space<vmem>> -> memref<16xi32, #tpu.memory_space<vmem>>
    %dma_start3A_604 = arith.constant 0 : i32
    %dma_start3A_605 = arith.constant 0 : i32
    %dma_start3A_606 = tpu.memref_slice %arg2[%dma_start3A_604, %dma_start3A_605] : memref<32768x768xf32, #tpu.memory_space<hbm>> -> memref<32768x768xf32, #tpu.memory_space<hbm>>
    tpu.enqueue_indirect_dma source(%dma_start3A_606 : memref<32768x768xf32, #tpu.memory_space<hbm>>) target(%dma_start3A_601 : memref<16x768xf32, #tpu.memory_space<vmem>>) offsets(%dma_start3A_603 : memref<16xi32, #tpu.memory_space<vmem>>) semaphore(%arg10 : memref<!tpu.dma_semaphore, #tpu.memory_space<semaphore_mem>>)
    %dma_start3A_607 = arith.constant 16 : i32
    %dma_start3A_608 = arith.constant 0 : i32
    %dma_start3A_609 = tpu.memref_slice %arg6[%dma_start3A_607, %dma_start3A_608] : memref<32x768xf32, #tpu.memory_space<vmem>> -> memref<16x768xf32, #tpu.memory_space<vmem>>
    %dma_start3A_610 = arith.constant 16 : i32
    %dma_start3A_611 = tpu.memref_slice %arg5[%dma_start3A_610] : memref<1024xi32, #tpu.memory_space<vmem>> -> memref<16xi32, #tpu.memory_space<vmem>>
    %dma_start3A_612 = arith.constant 0 : i32
    %dma_start3A_613 = arith.constant 0 : i32
    %dma_start3A_614 = tpu.memref_slice %arg2[%dma_start3A_612, %dma_start3A_613] : memref<32768x768xf32, #tpu.memory_space<hbm>> -> memref<32768x768xf32, #tpu.memory_space<hbm>>
    tpu.enqueue_indirect_dma source(%dma_start3A_614 : memref<32768x768xf32, #tpu.memory_space<hbm>>) target(%dma_start3A_609 : memref<16x768xf32, #tpu.memory_space<vmem>>) offsets(%dma_start3A_611 : memref<16xi32, #tpu.memory_space<vmem>>) semaphore(%arg11 : memref<!tpu.dma_semaphore, #tpu.memory_space<semaphore_mem>>)
    %dma_start3A_615 = arith.constant 0 : i32
    %dma_start3A_616 = arith.constant 0 : i32
    %dma_start3A_617 = tpu.memref_slice %arg7[%dma_start3A_615, %dma_start3A_616] : memref<32x768xf32, #tpu.memory_space<vmem>> -> memref<16x768xf32, #tpu.memory_space<vmem>>
    %dma_start3A_618 = arith.constant 32 : i32
    %dma_start3A_619 = tpu.memref_slice %arg5[%dma_start3A_618] : memref<1024xi32, #tpu.memory_space<vmem>> -> memref<16xi32, #tpu.memory_space<vmem>>
    %dma_start3A_620 = arith.constant 0 : i32
    %dma_start3A_621 = arith.constant 0 : i32
    %dma_start3A_622 = tpu.memref_slice %arg2[%dma_start3A_620, %dma_start3A_621] : memref<32768x768xf32, #tpu.memory_space<hbm>> -> memref<32768x768xf32, #tpu.memory_space<hbm>>
    tpu.enqueue_indirect_dma source(%dma_start3A_622 : memref<32768x768xf32, #tpu.memory_space<hbm>>) target(%dma_start3A_617 : memref<16x768xf32, #tpu.memory_space<vmem>>) offsets(%dma_start3A_619 : memref<16xi32, #tpu.memory_space<vmem>>) semaphore(%arg12 : memref<!tpu.dma_semaphore, #tpu.memory_space<semaphore_mem>>)
    %dma_start3A_623 = arith.constant 16 : i32
    %dma_start3A_624 = arith.constant 0 : i32
    %dma_start3A_625 = tpu.memref_slice %arg7[%dma_start3A_623, %dma_start3A_624] : memref<32x768xf32, #tpu.memory_space<vmem>> -> memref<16x768xf32, #tpu.memory_space<vmem>>
    %dma_start3A_626 = arith.constant 48 : i32
    %dma_start3A_627 = tpu.memref_slice %arg5[%dma_start3A_626] : memref<1024xi32, #tpu.memory_space<vmem>> -> memref<16xi32, #tpu.memory_space<vmem>>
    %dma_start3A_628 = arith.constant 0 : i32
    %dma_start3A_629 = arith.constant 0 : i32
    %dma_start3A_630 = tpu.memref_slice %arg2[%dma_start3A_628, %dma_start3A_629] : memref<32768x768xf32, #tpu.memory_space<hbm>> -> memref<32768x768xf32, #tpu.memory_space<hbm>>
    tpu.enqueue_indirect_dma source(%dma_start3A_630 : memref<32768x768xf32, #tpu.memory_space<hbm>>) target(%dma_start3A_625 : memref<16x768xf32, #tpu.memory_space<vmem>>) offsets(%dma_start3A_627 : memref<16xi32, #tpu.memory_space<vmem>>) semaphore(%arg13 : memref<!tpu.dma_semaphore, #tpu.memory_space<semaphore_mem>>)
    %dma_start3A_631 = arith.constant 0 : i32
    %dma_start3A_632 = arith.constant 0 : i32
    %dma_start3A_633 = tpu.memref_slice %arg8[%dma_start3A_631, %dma_start3A_632] : memref<32x768xf32, #tpu.memory_space<vmem>> -> memref<16x768xf32, #tpu.memory_space<vmem>>
    %dma_start3A_634 = arith.constant 64 : i32
    %dma_start3A_635 = tpu.memref_slice %arg5[%dma_start3A_634] : memref<1024xi32, #tpu.memory_space<vmem>> -> memref<16xi32, #tpu.memory_space<vmem>>
    %dma_start3A_636 = arith.constant 0 : i32
    %dma_start3A_637 = arith.constant 0 : i32
    %dma_start3A_638 = tpu.memref_slice %arg2[%dma_start3A_636, %dma_start3A_637] : memref<32768x768xf32, #tpu.memory_space<hbm>> -> memref<32768x768xf32, #tpu.memory_space<hbm>>
    tpu.enqueue_indirect_dma source(%dma_start3A_638 : memref<32768x768xf32, #tpu.memory_space<hbm>>) target(%dma_start3A_633 : memref<16x768xf32, #tpu.memory_space<vmem>>) offsets(%dma_start3A_635 : memref<16xi32, #tpu.memory_space<vmem>>) semaphore(%arg14 : memref<!tpu.dma_semaphore, #tpu.memory_space<semaphore_mem>>)
    %dma_start3A_639 = arith.constant 16 : i32
    %dma_start3A_640 = arith.constant 0 : i32
    %dma_start3A_641 = tpu.memref_slice %arg8[%dma_start3A_639, %dma_start3A_640] : memref<32x768xf32, #tpu.memory_space<vmem>> -> memref<16x768xf32, #tpu.memory_space<vmem>>
    %dma_start3A_642 = arith.constant 80 : i32
    %dma_start3A_643 = tpu.memref_slice %arg5[%dma_start3A_642] : memref<1024xi32, #tpu.memory_space<vmem>> -> memref<16xi32, #tpu.memory_space<vmem>>
    %dma_start3A_644 = arith.constant 0 : i32
    %dma_start3A_645 = arith.constant 0 : i32
    %dma_start3A_646 = tpu.memref_slice %arg2[%dma_start3A_644, %dma_start3A_645] : memref<32768x768xf32, #tpu.memory_space<hbm>> -> memref<32768x768xf32, #tpu.memory_space<hbm>>
    tpu.enqueue_indirect_dma source(%dma_start3A_646 : memref<32768x768xf32, #tpu.memory_space<hbm>>) target(%dma_start3A_641 : memref<16x768xf32, #tpu.memory_space<vmem>>) offsets(%dma_start3A_643 : memref<16xi32, #tpu.memory_space<vmem>>) semaphore(%arg15 : memref<!tpu.dma_semaphore, #tpu.memory_space<semaphore_mem>>)
    %dma_start3A_647 = arith.constant 0 : i32
    %dma_start3A_648 = arith.constant 0 : i32
    %dma_start3A_649 = tpu.memref_slice %arg9[%dma_start3A_647, %dma_start3A_648] : memref<32x768xf32, #tpu.memory_space<vmem>> -> memref<16x768xf32, #tpu.memory_space<vmem>>
    %dma_start3A_650 = arith.constant 96 : i32
    %dma_start3A_651 = tpu.memref_slice %arg5[%dma_start3A_650] : memref<1024xi32, #tpu.memory_space<vmem>> -> memref<16xi32, #tpu.memory_space<vmem>>
    %dma_start3A_652 = arith.constant 0 : i32
    %dma_start3A_653 = arith.constant 0 : i32
    %dma_start3A_654 = tpu.memref_slice %arg2[%dma_start3A_652, %dma_start3A_653] : memref<32768x768xf32, #tpu.memory_space<hbm>> -> memref<32768x768xf32, #tpu.memory_space<hbm>>
    tpu.enqueue_indirect_dma source(%dma_start3A_654 : memref<32768x768xf32, #tpu.memory_space<hbm>>) target(%dma_start3A_649 : memref<16x768xf32, #tpu.memory_space<vmem>>) offsets(%dma_start3A_651 : memref<16xi32, #tpu.memory_space<vmem>>) semaphore(%arg16 : memref<!tpu.dma_semaphore, #tpu.memory_space<semaphore_mem>>)
    %dma_start3A_655 = arith.constant 16 : i32
    %dma_start3A_656 = arith.constant 0 : i32
    %dma_start3A_657 = tpu.memref_slice %arg9[%dma_start3A_655, %dma_start3A_656] : memref<32x768xf32, #tpu.memory_space<vmem>> -> memref<16x768xf32, #tpu.memory_space<vmem>>
    %dma_start3A_658 = arith.constant 112 : i32
    %dma_start3A_659 = tpu.memref_slice %arg5[%dma_start3A_658] : memref<1024xi32, #tpu.memory_space<vmem>> -> memref<16xi32, #tpu.memory_space<vmem>>
    %dma_start3A_660 = arith.constant 0 : i32
    %dma_start3A_661 = arith.constant 0 : i32
    %dma_start3A_662 = tpu.memref_slice %arg2[%dma_start3A_660, %dma_start3A_661] : memref<32768x768xf32, #tpu.memory_space<hbm>> -> memref<32768x768xf32, #tpu.memory_space<hbm>>
    tpu.enqueue_indirect_dma source(%dma_start3A_662 : memref<32768x768xf32, #tpu.memory_space<hbm>>) target(%dma_start3A_657 : memref<16x768xf32, #tpu.memory_space<vmem>>) offsets(%dma_start3A_659 : memref<16xi32, #tpu.memory_space<vmem>>) semaphore(%arg17 : memref<!tpu.dma_semaphore, #tpu.memory_space<semaphore_mem>>)
    %scan3A = arith.constant 0 : i32
    %scan3A_663 = arith.constant 0 : i32
    %scan3A_664 = arith.constant 8 : i32
    %scan3A_665 = arith.addi %scan3A_663, %scan3A_664 : i32
    %scan3A_666 = arith.constant 1 : i32
    %scan3A_667 = scf.for %scan3A_692 = %scan3A_663 to %scan3A_665 step %scan3A_666 iter_args(%scan3A_693 = %scan3A) -> (i32)  : i32 {
      %mul3A_694 = arith.constant 4 : i32
      %mul3A_695 = arith.muli %scan3A_692, %mul3A_694 : i32
      %add3A_696 = arith.constant 0 : i32
      %add3A_697 = arith.addi %mul3A_695, %add3A_696 : i32
      %mul3A_698 = arith.constant 32 : i32
      %mul3A_699 = arith.muli %add3A_697, %mul3A_698 : i32
      %add3A_700 = arith.constant 0 : i32
      %add3A_701 = arith.addi %mul3A_699, %add3A_700 : i32
      %dma_wait3A_702 = arith.constant 0 : i32
      %dma_wait3A_703 = arith.constant 0 : i32
      %dma_wait3A_704 = tpu.memref_slice %arg6[%dma_wait3A_702, %dma_wait3A_703] : memref<32x768xf32, #tpu.memory_space<vmem>> -> memref<16x768xf32, #tpu.memory_space<vmem>>
      %dma_wait3A_705 = tpu.memref_slice %arg5[%add3A_701] : memref<1024xi32, #tpu.memory_space<vmem>> -> memref<16xi32, #tpu.memory_space<vmem>>
      %dma_wait3A_706 = arith.constant 0 : i32
      %dma_wait3A_707 = arith.constant 0 : i32
      %dma_wait3A_708 = tpu.memref_slice %arg2[%dma_wait3A_706, %dma_wait3A_707] : memref<32768x768xf32, #tpu.memory_space<hbm>> -> memref<32768x768xf32, #tpu.memory_space<hbm>>
      tpu.wait_indirect_dma semaphore(%arg10 : memref<!tpu.dma_semaphore, #tpu.memory_space<semaphore_mem>>) src(%dma_wait3A_708 : memref<32768x768xf32, #tpu.memory_space<hbm>>) dst(%dma_wait3A_704 : memref<16x768xf32, #tpu.memory_space<vmem>>)
      %mul3A_709 = arith.constant 32 : i32
      %mul3A_710 = arith.muli %add3A_697, %mul3A_709 : i32
      %add3A_711 = arith.constant 16 : i32
      %add3A_712 = arith.addi %mul3A_710, %add3A_711 : i32
      %dma_wait3A_713 = arith.constant 16 : i32
      %dma_wait3A_714 = arith.constant 0 : i32
      %dma_wait3A_715 = tpu.memref_slice %arg6[%dma_wait3A_713, %dma_wait3A_714] : memref<32x768xf32, #tpu.memory_space<vmem>> -> memref<16x768xf32, #tpu.memory_space<vmem>>
      %dma_wait3A_716 = tpu.memref_slice %arg5[%add3A_712] : memref<1024xi32, #tpu.memory_space<vmem>> -> memref<16xi32, #tpu.memory_space<vmem>>
      %dma_wait3A_717 = arith.constant 0 : i32
      %dma_wait3A_718 = arith.constant 0 : i32
      %dma_wait3A_719 = tpu.memref_slice %arg2[%dma_wait3A_717, %dma_wait3A_718] : memref<32768x768xf32, #tpu.memory_space<hbm>> -> memref<32768x768xf32, #tpu.memory_space<hbm>>
      tpu.wait_indirect_dma semaphore(%arg11 : memref<!tpu.dma_semaphore, #tpu.memory_space<semaphore_mem>>) src(%dma_wait3A_719 : memref<32768x768xf32, #tpu.memory_space<hbm>>) dst(%dma_wait3A_715 : memref<16x768xf32, #tpu.memory_space<vmem>>)
      %mul3A_720 = arith.constant 32 : i32
      %mul3A_721 = arith.muli %add3A_697, %mul3A_720 : i32
      %add3A_722 = arith.addi %add3A_4, %mul3A_721 : i32
      %dma_start3A_723 = arith.constant 0 : i32
      %dma_start3A_724 = tpu.memref_slice %arg4[%add3A_722, %dma_start3A_723] : memref<32768x768xf32, #tpu.memory_space<hbm>> -> memref<32x768xf32, #tpu.memory_space<hbm>>
      %dma_start3A_725 = arith.constant 0 : i32
      %dma_start3A_726 = tpu.memref_slice %arg4[%add3A_722, %dma_start3A_725] : memref<32768x768xf32, #tpu.memory_space<hbm>> -> memref<32x768xf32, #tpu.memory_space<hbm>>
      tpu.enqueue_dma source(%arg6 : memref<32x768xf32, #tpu.memory_space<vmem>>) target(%dma_start3A_726 : memref<32x768xf32, #tpu.memory_space<hbm>>) target_semaphore(%arg18 : memref<!tpu.dma_semaphore, #tpu.memory_space<semaphore_mem>>)
      %mul3A_727 = arith.constant 4 : i32
      %mul3A_728 = arith.muli %scan3A_692, %mul3A_727 : i32
      %add3A_729 = arith.constant 1 : i32
      %add3A_730 = arith.addi %mul3A_728, %add3A_729 : i32
      %mul3A_731 = arith.constant 32 : i32
      %mul3A_732 = arith.muli %add3A_730, %mul3A_731 : i32
      %add3A_733 = arith.constant 0 : i32
      %add3A_734 = arith.addi %mul3A_732, %add3A_733 : i32
      %dma_wait3A_735 = arith.constant 0 : i32
      %dma_wait3A_736 = arith.constant 0 : i32
      %dma_wait3A_737 = tpu.memref_slice %arg7[%dma_wait3A_735, %dma_wait3A_736] : memref<32x768xf32, #tpu.memory_space<vmem>> -> memref<16x768xf32, #tpu.memory_space<vmem>>
      %dma_wait3A_738 = tpu.memref_slice %arg5[%add3A_734] : memref<1024xi32, #tpu.memory_space<vmem>> -> memref<16xi32, #tpu.memory_space<vmem>>
      %dma_wait3A_739 = arith.constant 0 : i32
      %dma_wait3A_740 = arith.constant 0 : i32
      %dma_wait3A_741 = tpu.memref_slice %arg2[%dma_wait3A_739, %dma_wait3A_740] : memref<32768x768xf32, #tpu.memory_space<hbm>> -> memref<32768x768xf32, #tpu.memory_space<hbm>>
      tpu.wait_indirect_dma semaphore(%arg12 : memref<!tpu.dma_semaphore, #tpu.memory_space<semaphore_mem>>) src(%dma_wait3A_741 : memref<32768x768xf32, #tpu.memory_space<hbm>>) dst(%dma_wait3A_737 : memref<16x768xf32, #tpu.memory_space<vmem>>)
      %mul3A_742 = arith.constant 32 : i32
      %mul3A_743 = arith.muli %add3A_730, %mul3A_742 : i32
      %add3A_744 = arith.constant 16 : i32
      %add3A_745 = arith.addi %mul3A_743, %add3A_744 : i32
      %dma_wait3A_746 = arith.constant 16 : i32
      %dma_wait3A_747 = arith.constant 0 : i32
      %dma_wait3A_748 = tpu.memref_slice %arg7[%dma_wait3A_746, %dma_wait3A_747] : memref<32x768xf32, #tpu.memory_space<vmem>> -> memref<16x768xf32, #tpu.memory_space<vmem>>
      %dma_wait3A_749 = tpu.memref_slice %arg5[%add3A_745] : memref<1024xi32, #tpu.memory_space<vmem>> -> memref<16xi32, #tpu.memory_space<vmem>>
      %dma_wait3A_750 = arith.constant 0 : i32
      %dma_wait3A_751 = arith.constant 0 : i32
      %dma_wait3A_752 = tpu.memref_slice %arg2[%dma_wait3A_750, %dma_wait3A_751] : memref<32768x768xf32, #tpu.memory_space<hbm>> -> memref<32768x768xf32, #tpu.memory_space<hbm>>
      tpu.wait_indirect_dma semaphore(%arg13 : memref<!tpu.dma_semaphore, #tpu.memory_space<semaphore_mem>>) src(%dma_wait3A_752 : memref<32768x768xf32, #tpu.memory_space<hbm>>) dst(%dma_wait3A_748 : memref<16x768xf32, #tpu.memory_space<vmem>>)
      %mul3A_753 = arith.constant 32 : i32
      %mul3A_754 = arith.muli %add3A_730, %mul3A_753 : i32
      %add3A_755 = arith.addi %add3A_4, %mul3A_754 : i32
      %dma_start3A_756 = arith.constant 0 : i32
      %dma_start3A_757 = tpu.memref_slice %arg4[%add3A_755, %dma_start3A_756] : memref<32768x768xf32, #tpu.memory_space<hbm>> -> memref<32x768xf32, #tpu.memory_space<hbm>>
      %dma_start3A_758 = arith.constant 0 : i32
      %dma_start3A_759 = tpu.memref_slice %arg4[%add3A_755, %dma_start3A_758] : memref<32768x768xf32, #tpu.memory_space<hbm>> -> memref<32x768xf32, #tpu.memory_space<hbm>>
      tpu.enqueue_dma source(%arg7 : memref<32x768xf32, #tpu.memory_space<vmem>>) target(%dma_start3A_759 : memref<32x768xf32, #tpu.memory_space<hbm>>) target_semaphore(%arg19 : memref<!tpu.dma_semaphore, #tpu.memory_space<semaphore_mem>>)
      %mul3A_760 = arith.constant 4 : i32
      %mul3A_761 = arith.muli %scan3A_692, %mul3A_760 : i32
      %add3A_762 = arith.constant 2 : i32
      %add3A_763 = arith.addi %mul3A_761, %add3A_762 : i32
      %mul3A_764 = arith.constant 32 : i32
      %mul3A_765 = arith.muli %add3A_763, %mul3A_764 : i32
      %add3A_766 = arith.constant 0 : i32
      %add3A_767 = arith.addi %mul3A_765, %add3A_766 : i32
      %dma_wait3A_768 = arith.constant 0 : i32
      %dma_wait3A_769 = arith.constant 0 : i32
      %dma_wait3A_770 = tpu.memref_slice %arg8[%dma_wait3A_768, %dma_wait3A_769] : memref<32x768xf32, #tpu.memory_space<vmem>> -> memref<16x768xf32, #tpu.memory_space<vmem>>
      %dma_wait3A_771 = tpu.memref_slice %arg5[%add3A_767] : memref<1024xi32, #tpu.memory_space<vmem>> -> memref<16xi32, #tpu.memory_space<vmem>>
      %dma_wait3A_772 = arith.constant 0 : i32
      %dma_wait3A_773 = arith.constant 0 : i32
      %dma_wait3A_774 = tpu.memref_slice %arg2[%dma_wait3A_772, %dma_wait3A_773] : memref<32768x768xf32, #tpu.memory_space<hbm>> -> memref<32768x768xf32, #tpu.memory_space<hbm>>
      tpu.wait_indirect_dma semaphore(%arg14 : memref<!tpu.dma_semaphore, #tpu.memory_space<semaphore_mem>>) src(%dma_wait3A_774 : memref<32768x768xf32, #tpu.memory_space<hbm>>) dst(%dma_wait3A_770 : memref<16x768xf32, #tpu.memory_space<vmem>>)
      %mul3A_775 = arith.constant 32 : i32
      %mul3A_776 = arith.muli %add3A_763, %mul3A_775 : i32
      %add3A_777 = arith.constant 16 : i32
      %add3A_778 = arith.addi %mul3A_776, %add3A_777 : i32
      %dma_wait3A_779 = arith.constant 16 : i32
      %dma_wait3A_780 = arith.constant 0 : i32
      %dma_wait3A_781 = tpu.memref_slice %arg8[%dma_wait3A_779, %dma_wait3A_780] : memref<32x768xf32, #tpu.memory_space<vmem>> -> memref<16x768xf32, #tpu.memory_space<vmem>>
      %dma_wait3A_782 = tpu.memref_slice %arg5[%add3A_778] : memref<1024xi32, #tpu.memory_space<vmem>> -> memref<16xi32, #tpu.memory_space<vmem>>
      %dma_wait3A_783 = arith.constant 0 : i32
      %dma_wait3A_784 = arith.constant 0 : i32
      %dma_wait3A_785 = tpu.memref_slice %arg2[%dma_wait3A_783, %dma_wait3A_784] : memref<32768x768xf32, #tpu.memory_space<hbm>> -> memref<32768x768xf32, #tpu.memory_space<hbm>>
      tpu.wait_indirect_dma semaphore(%arg15 : memref<!tpu.dma_semaphore, #tpu.memory_space<semaphore_mem>>) src(%dma_wait3A_785 : memref<32768x768xf32, #tpu.memory_space<hbm>>) dst(%dma_wait3A_781 : memref<16x768xf32, #tpu.memory_space<vmem>>)
      %mul3A_786 = arith.constant 32 : i32
      %mul3A_787 = arith.muli %add3A_763, %mul3A_786 : i32
      %add3A_788 = arith.addi %add3A_4, %mul3A_787 : i32
      %dma_start3A_789 = arith.constant 0 : i32
      %dma_start3A_790 = tpu.memref_slice %arg4[%add3A_788, %dma_start3A_789] : memref<32768x768xf32, #tpu.memory_space<hbm>> -> memref<32x768xf32, #tpu.memory_space<hbm>>
      %dma_start3A_791 = arith.constant 0 : i32
      %dma_start3A_792 = tpu.memref_slice %arg4[%add3A_788, %dma_start3A_791] : memref<32768x768xf32, #tpu.memory_space<hbm>> -> memref<32x768xf32, #tpu.memory_space<hbm>>
      tpu.enqueue_dma source(%arg8 : memref<32x768xf32, #tpu.memory_space<vmem>>) target(%dma_start3A_792 : memref<32x768xf32, #tpu.memory_space<hbm>>) target_semaphore(%arg20 : memref<!tpu.dma_semaphore, #tpu.memory_space<semaphore_mem>>)
      %mul3A_793 = arith.constant 4 : i32
      %mul3A_794 = arith.muli %scan3A_692, %mul3A_793 : i32
      %add3A_795 = arith.constant 3 : i32
      %add3A_796 = arith.addi %mul3A_794, %add3A_795 : i32
      %mul3A_797 = arith.constant 32 : i32
      %mul3A_798 = arith.muli %add3A_796, %mul3A_797 : i32
      %add3A_799 = arith.constant 0 : i32
      %add3A_800 = arith.addi %mul3A_798, %add3A_799 : i32
      %dma_wait3A_801 = arith.constant 0 : i32
      %dma_wait3A_802 = arith.constant 0 : i32
      %dma_wait3A_803 = tpu.memref_slice %arg9[%dma_wait3A_801, %dma_wait3A_802] : memref<32x768xf32, #tpu.memory_space<vmem>> -> memref<16x768xf32, #tpu.memory_space<vmem>>
      %dma_wait3A_804 = tpu.memref_slice %arg5[%add3A_800] : memref<1024xi32, #tpu.memory_space<vmem>> -> memref<16xi32, #tpu.memory_space<vmem>>
      %dma_wait3A_805 = arith.constant 0 : i32
      %dma_wait3A_806 = arith.constant 0 : i32
      %dma_wait3A_807 = tpu.memref_slice %arg2[%dma_wait3A_805, %dma_wait3A_806] : memref<32768x768xf32, #tpu.memory_space<hbm>> -> memref<32768x768xf32, #tpu.memory_space<hbm>>
      tpu.wait_indirect_dma semaphore(%arg16 : memref<!tpu.dma_semaphore, #tpu.memory_space<semaphore_mem>>) src(%dma_wait3A_807 : memref<32768x768xf32, #tpu.memory_space<hbm>>) dst(%dma_wait3A_803 : memref<16x768xf32, #tpu.memory_space<vmem>>)
      %mul3A_808 = arith.constant 32 : i32
      %mul3A_809 = arith.muli %add3A_796, %mul3A_808 : i32
      %add3A_810 = arith.constant 16 : i32
      %add3A_811 = arith.addi %mul3A_809, %add3A_810 : i32
      %dma_wait3A_812 = arith.constant 16 : i32
      %dma_wait3A_813 = arith.constant 0 : i32
      %dma_wait3A_814 = tpu.memref_slice %arg9[%dma_wait3A_812, %dma_wait3A_813] : memref<32x768xf32, #tpu.memory_space<vmem>> -> memref<16x768xf32, #tpu.memory_space<vmem>>
      %dma_wait3A_815 = tpu.memref_slice %arg5[%add3A_811] : memref<1024xi32, #tpu.memory_space<vmem>> -> memref<16xi32, #tpu.memory_space<vmem>>
      %dma_wait3A_816 = arith.constant 0 : i32
      %dma_wait3A_817 = arith.constant 0 : i32
      %dma_wait3A_818 = tpu.memref_slice %arg2[%dma_wait3A_816, %dma_wait3A_817] : memref<32768x768xf32, #tpu.memory_space<hbm>> -> memref<32768x768xf32, #tpu.memory_space<hbm>>
      tpu.wait_indirect_dma semaphore(%arg17 : memref<!tpu.dma_semaphore, #tpu.memory_space<semaphore_mem>>) src(%dma_wait3A_818 : memref<32768x768xf32, #tpu.memory_space<hbm>>) dst(%dma_wait3A_814 : memref<16x768xf32, #tpu.memory_space<vmem>>)
      %mul3A_819 = arith.constant 32 : i32
      %mul3A_820 = arith.muli %add3A_796, %mul3A_819 : i32
      %add3A_821 = arith.addi %add3A_4, %mul3A_820 : i32
      %dma_start3A_822 = arith.constant 0 : i32
      %dma_start3A_823 = tpu.memref_slice %arg4[%add3A_821, %dma_start3A_822] : memref<32768x768xf32, #tpu.memory_space<hbm>> -> memref<32x768xf32, #tpu.memory_space<hbm>>
      %dma_start3A_824 = arith.constant 0 : i32
      %dma_start3A_825 = tpu.memref_slice %arg4[%add3A_821, %dma_start3A_824] : memref<32768x768xf32, #tpu.memory_space<hbm>> -> memref<32x768xf32, #tpu.memory_space<hbm>>
      tpu.enqueue_dma source(%arg9 : memref<32x768xf32, #tpu.memory_space<vmem>>) target(%dma_start3A_825 : memref<32x768xf32, #tpu.memory_space<hbm>>) target_semaphore(%arg21 : memref<!tpu.dma_semaphore, #tpu.memory_space<semaphore_mem>>)
      %add3A_826 = arith.constant 1 : i32
      %add3A_827 = arith.addi %scan3A_692, %add3A_826 : i32
      %mul3A_828 = arith.constant 4 : i32
      %mul3A_829 = arith.muli %add3A_827, %mul3A_828 : i32
      %add3A_830 = arith.constant 0 : i32
      %add3A_831 = arith.addi %mul3A_829, %add3A_830 : i32
      %lt3A = arith.constant 32 : i32
      %lt3A_832 = arith.cmpi slt, %add3A_831, %lt3A : i32
      %convert_element_type3A = arith.extui %lt3A_832 : i1 to i32
      %cond3A = arith.constant 0 : i32
      %cond3A_833 = arith.cmpi ne, %convert_element_type3A, %cond3A : i32
      scf.if %cond3A_833 {
        %sub3A_868 = arith.constant 4 : i32
        %sub3A_869 = arith.subi %add3A_831, %sub3A_868 : i32
        %mul3A_870 = arith.constant 32 : i32
        %mul3A_871 = arith.muli %sub3A_869, %mul3A_870 : i32
        %add3A_872 = arith.addi %add3A_4, %mul3A_871 : i32
        %dma_wait3A_873 = arith.constant 0 : i32
        %dma_wait3A_874 = tpu.memref_slice %arg4[%add3A_872, %dma_wait3A_873] : memref<32768x768xf32, #tpu.memory_space<hbm>> -> memref<32x768xf32, #tpu.memory_space<hbm>>
        %dma_wait3A_875 = arith.constant 0 : i32
        %dma_wait3A_876 = tpu.memref_slice %arg4[%add3A_872, %dma_wait3A_875] : memref<32768x768xf32, #tpu.memory_space<hbm>> -> memref<32x768xf32, #tpu.memory_space<hbm>>
        tpu.wait_dma2 semaphore(%arg18 : memref<!tpu.dma_semaphore, #tpu.memory_space<semaphore_mem>>) src(%arg6 : memref<32x768xf32, #tpu.memory_space<vmem>>) dst(%dma_wait3A_876 : memref<32x768xf32, #tpu.memory_space<hbm>>)
        %mul3A_877 = arith.constant 32 : i32
        %mul3A_878 = arith.muli %add3A_831, %mul3A_877 : i32
        %add3A_879 = arith.constant 0 : i32
        %add3A_880 = arith.addi %mul3A_878, %add3A_879 : i32
        %dma_start3A_881 = arith.constant 0 : i32
        %dma_start3A_882 = arith.constant 0 : i32
        %dma_start3A_883 = tpu.memref_slice %arg6[%dma_start3A_881, %dma_start3A_882] : memref<32x768xf32, #tpu.memory_space<vmem>> -> memref<16x768xf32, #tpu.memory_space<vmem>>
        %dma_start3A_884 = tpu.memref_slice %arg5[%add3A_880] : memref<1024xi32, #tpu.memory_space<vmem>> -> memref<16xi32, #tpu.memory_space<vmem>>
        %dma_start3A_885 = arith.constant 0 : i32
        %dma_start3A_886 = arith.constant 0 : i32
        %dma_start3A_887 = tpu.memref_slice %arg2[%dma_start3A_885, %dma_start3A_886] : memref<32768x768xf32, #tpu.memory_space<hbm>> -> memref<32768x768xf32, #tpu.memory_space<hbm>>
        tpu.enqueue_indirect_dma source(%dma_start3A_887 : memref<32768x768xf32, #tpu.memory_space<hbm>>) target(%dma_start3A_883 : memref<16x768xf32, #tpu.memory_space<vmem>>) offsets(%dma_start3A_884 : memref<16xi32, #tpu.memory_space<vmem>>) semaphore(%arg10 : memref<!tpu.dma_semaphore, #tpu.memory_space<semaphore_mem>>)
        %mul3A_888 = arith.constant 32 : i32
        %mul3A_889 = arith.muli %add3A_831, %mul3A_888 : i32
        %add3A_890 = arith.constant 16 : i32
        %add3A_891 = arith.addi %mul3A_889, %add3A_890 : i32
        %dma_start3A_892 = arith.constant 16 : i32
        %dma_start3A_893 = arith.constant 0 : i32
        %dma_start3A_894 = tpu.memref_slice %arg6[%dma_start3A_892, %dma_start3A_893] : memref<32x768xf32, #tpu.memory_space<vmem>> -> memref<16x768xf32, #tpu.memory_space<vmem>>
        %dma_start3A_895 = tpu.memref_slice %arg5[%add3A_891] : memref<1024xi32, #tpu.memory_space<vmem>> -> memref<16xi32, #tpu.memory_space<vmem>>
        %dma_start3A_896 = arith.constant 0 : i32
        %dma_start3A_897 = arith.constant 0 : i32
        %dma_start3A_898 = tpu.memref_slice %arg2[%dma_start3A_896, %dma_start3A_897] : memref<32768x768xf32, #tpu.memory_space<hbm>> -> memref<32768x768xf32, #tpu.memory_space<hbm>>
        tpu.enqueue_indirect_dma source(%dma_start3A_898 : memref<32768x768xf32, #tpu.memory_space<hbm>>) target(%dma_start3A_894 : memref<16x768xf32, #tpu.memory_space<vmem>>) offsets(%dma_start3A_895 : memref<16xi32, #tpu.memory_space<vmem>>) semaphore(%arg11 : memref<!tpu.dma_semaphore, #tpu.memory_space<semaphore_mem>>)
      } else {
      }
      %add3A_834 = arith.constant 1 : i32
      %add3A_835 = arith.addi %scan3A_692, %add3A_834 : i32
      %mul3A_836 = arith.constant 4 : i32
      %mul3A_837 = arith.muli %add3A_835, %mul3A_836 : i32
      %add3A_838 = arith.constant 1 : i32
      %add3A_839 = arith.addi %mul3A_837, %add3A_838 : i32
      %lt3A_840 = arith.constant 32 : i32
      %lt3A_841 = arith.cmpi slt, %add3A_839, %lt3A_840 : i32
      %convert_element_type3A_842 = arith.extui %lt3A_841 : i1 to i32
      %cond3A_843 = arith.constant 0 : i32
      %cond3A_844 = arith.cmpi ne, %convert_element_type3A_842, %cond3A_843 : i32
      scf.if %cond3A_844 {
        %sub3A_868 = arith.constant 4 : i32
        %sub3A_869 = arith.subi %add3A_839, %sub3A_868 : i32
        %mul3A_870 = arith.constant 32 : i32
        %mul3A_871 = arith.muli %sub3A_869, %mul3A_870 : i32
        %add3A_872 = arith.addi %add3A_4, %mul3A_871 : i32
        %dma_wait3A_873 = arith.constant 0 : i32
        %dma_wait3A_874 = tpu.memref_slice %arg4[%add3A_872, %dma_wait3A_873] : memref<32768x768xf32, #tpu.memory_space<hbm>> -> memref<32x768xf32, #tpu.memory_space<hbm>>
        %dma_wait3A_875 = arith.constant 0 : i32
        %dma_wait3A_876 = tpu.memref_slice %arg4[%add3A_872, %dma_wait3A_875] : memref<32768x768xf32, #tpu.memory_space<hbm>> -> memref<32x768xf32, #tpu.memory_space<hbm>>
        tpu.wait_dma2 semaphore(%arg19 : memref<!tpu.dma_semaphore, #tpu.memory_space<semaphore_mem>>) src(%arg7 : memref<32x768xf32, #tpu.memory_space<vmem>>) dst(%dma_wait3A_876 : memref<32x768xf32, #tpu.memory_space<hbm>>)
        %mul3A_877 = arith.constant 32 : i32
        %mul3A_878 = arith.muli %add3A_839, %mul3A_877 : i32
        %add3A_879 = arith.constant 0 : i32
        %add3A_880 = arith.addi %mul3A_878, %add3A_879 : i32
        %dma_start3A_881 = arith.constant 0 : i32
        %dma_start3A_882 = arith.constant 0 : i32
        %dma_start3A_883 = tpu.memref_slice %arg7[%dma_start3A_881, %dma_start3A_882] : memref<32x768xf32, #tpu.memory_space<vmem>> -> memref<16x768xf32, #tpu.memory_space<vmem>>
        %dma_start3A_884 = tpu.memref_slice %arg5[%add3A_880] : memref<1024xi32, #tpu.memory_space<vmem>> -> memref<16xi32, #tpu.memory_space<vmem>>
        %dma_start3A_885 = arith.constant 0 : i32
        %dma_start3A_886 = arith.constant 0 : i32
        %dma_start3A_887 = tpu.memref_slice %arg2[%dma_start3A_885, %dma_start3A_886] : memref<32768x768xf32, #tpu.memory_space<hbm>> -> memref<32768x768xf32, #tpu.memory_space<hbm>>
        tpu.enqueue_indirect_dma source(%dma_start3A_887 : memref<32768x768xf32, #tpu.memory_space<hbm>>) target(%dma_start3A_883 : memref<16x768xf32, #tpu.memory_space<vmem>>) offsets(%dma_start3A_884 : memref<16xi32, #tpu.memory_space<vmem>>) semaphore(%arg12 : memref<!tpu.dma_semaphore, #tpu.memory_space<semaphore_mem>>)
        %mul3A_888 = arith.constant 32 : i32
        %mul3A_889 = arith.muli %add3A_839, %mul3A_888 : i32
        %add3A_890 = arith.constant 16 : i32
        %add3A_891 = arith.addi %mul3A_889, %add3A_890 : i32
        %dma_start3A_892 = arith.constant 16 : i32
        %dma_start3A_893 = arith.constant 0 : i32
        %dma_start3A_894 = tpu.memref_slice %arg7[%dma_start3A_892, %dma_start3A_893] : memref<32x768xf32, #tpu.memory_space<vmem>> -> memref<16x768xf32, #tpu.memory_space<vmem>>
        %dma_start3A_895 = tpu.memref_slice %arg5[%add3A_891] : memref<1024xi32, #tpu.memory_space<vmem>> -> memref<16xi32, #tpu.memory_space<vmem>>
        %dma_start3A_896 = arith.constant 0 : i32
        %dma_start3A_897 = arith.constant 0 : i32
        %dma_start3A_898 = tpu.memref_slice %arg2[%dma_start3A_896, %dma_start3A_897] : memref<32768x768xf32, #tpu.memory_space<hbm>> -> memref<32768x768xf32, #tpu.memory_space<hbm>>
        tpu.enqueue_indirect_dma source(%dma_start3A_898 : memref<32768x768xf32, #tpu.memory_space<hbm>>) target(%dma_start3A_894 : memref<16x768xf32, #tpu.memory_space<vmem>>) offsets(%dma_start3A_895 : memref<16xi32, #tpu.memory_space<vmem>>) semaphore(%arg13 : memref<!tpu.dma_semaphore, #tpu.memory_space<semaphore_mem>>)
      } else {
      }
      %add3A_845 = arith.constant 1 : i32
      %add3A_846 = arith.addi %scan3A_692, %add3A_845 : i32
      %mul3A_847 = arith.constant 4 : i32
      %mul3A_848 = arith.muli %add3A_846, %mul3A_847 : i32
      %add3A_849 = arith.constant 2 : i32
      %add3A_850 = arith.addi %mul3A_848, %add3A_849 : i32
      %lt3A_851 = arith.constant 32 : i32
      %lt3A_852 = arith.cmpi slt, %add3A_850, %lt3A_851 : i32
      %convert_element_type3A_853 = arith.extui %lt3A_852 : i1 to i32
      %cond3A_854 = arith.constant 0 : i32
      %cond3A_855 = arith.cmpi ne, %convert_element_type3A_853, %cond3A_854 : i32
      scf.if %cond3A_855 {
        %sub3A_868 = arith.constant 4 : i32
        %sub3A_869 = arith.subi %add3A_850, %sub3A_868 : i32
        %mul3A_870 = arith.constant 32 : i32
        %mul3A_871 = arith.muli %sub3A_869, %mul3A_870 : i32
        %add3A_872 = arith.addi %add3A_4, %mul3A_871 : i32
        %dma_wait3A_873 = arith.constant 0 : i32
        %dma_wait3A_874 = tpu.memref_slice %arg4[%add3A_872, %dma_wait3A_873] : memref<32768x768xf32, #tpu.memory_space<hbm>> -> memref<32x768xf32, #tpu.memory_space<hbm>>
        %dma_wait3A_875 = arith.constant 0 : i32
        %dma_wait3A_876 = tpu.memref_slice %arg4[%add3A_872, %dma_wait3A_875] : memref<32768x768xf32, #tpu.memory_space<hbm>> -> memref<32x768xf32, #tpu.memory_space<hbm>>
        tpu.wait_dma2 semaphore(%arg20 : memref<!tpu.dma_semaphore, #tpu.memory_space<semaphore_mem>>) src(%arg8 : memref<32x768xf32, #tpu.memory_space<vmem>>) dst(%dma_wait3A_876 : memref<32x768xf32, #tpu.memory_space<hbm>>)
        %mul3A_877 = arith.constant 32 : i32
        %mul3A_878 = arith.muli %add3A_850, %mul3A_877 : i32
        %add3A_879 = arith.constant 0 : i32
        %add3A_880 = arith.addi %mul3A_878, %add3A_879 : i32
        %dma_start3A_881 = arith.constant 0 : i32
        %dma_start3A_882 = arith.constant 0 : i32
        %dma_start3A_883 = tpu.memref_slice %arg8[%dma_start3A_881, %dma_start3A_882] : memref<32x768xf32, #tpu.memory_space<vmem>> -> memref<16x768xf32, #tpu.memory_space<vmem>>
        %dma_start3A_884 = tpu.memref_slice %arg5[%add3A_880] : memref<1024xi32, #tpu.memory_space<vmem>> -> memref<16xi32, #tpu.memory_space<vmem>>
        %dma_start3A_885 = arith.constant 0 : i32
        %dma_start3A_886 = arith.constant 0 : i32
        %dma_start3A_887 = tpu.memref_slice %arg2[%dma_start3A_885, %dma_start3A_886] : memref<32768x768xf32, #tpu.memory_space<hbm>> -> memref<32768x768xf32, #tpu.memory_space<hbm>>
        tpu.enqueue_indirect_dma source(%dma_start3A_887 : memref<32768x768xf32, #tpu.memory_space<hbm>>) target(%dma_start3A_883 : memref<16x768xf32, #tpu.memory_space<vmem>>) offsets(%dma_start3A_884 : memref<16xi32, #tpu.memory_space<vmem>>) semaphore(%arg14 : memref<!tpu.dma_semaphore, #tpu.memory_space<semaphore_mem>>)
        %mul3A_888 = arith.constant 32 : i32
        %mul3A_889 = arith.muli %add3A_850, %mul3A_888 : i32
        %add3A_890 = arith.constant 16 : i32
        %add3A_891 = arith.addi %mul3A_889, %add3A_890 : i32
        %dma_start3A_892 = arith.constant 16 : i32
        %dma_start3A_893 = arith.constant 0 : i32
        %dma_start3A_894 = tpu.memref_slice %arg8[%dma_start3A_892, %dma_start3A_893] : memref<32x768xf32, #tpu.memory_space<vmem>> -> memref<16x768xf32, #tpu.memory_space<vmem>>
        %dma_start3A_895 = tpu.memref_slice %arg5[%add3A_891] : memref<1024xi32, #tpu.memory_space<vmem>> -> memref<16xi32, #tpu.memory_space<vmem>>
        %dma_start3A_896 = arith.constant 0 : i32
        %dma_start3A_897 = arith.constant 0 : i32
        %dma_start3A_898 = tpu.memref_slice %arg2[%dma_start3A_896, %dma_start3A_897] : memref<32768x768xf32, #tpu.memory_space<hbm>> -> memref<32768x768xf32, #tpu.memory_space<hbm>>
        tpu.enqueue_indirect_dma source(%dma_start3A_898 : memref<32768x768xf32, #tpu.memory_space<hbm>>) target(%dma_start3A_894 : memref<16x768xf32, #tpu.memory_space<vmem>>) offsets(%dma_start3A_895 : memref<16xi32, #tpu.memory_space<vmem>>) semaphore(%arg15 : memref<!tpu.dma_semaphore, #tpu.memory_space<semaphore_mem>>)
      } else {
      }
      %add3A_856 = arith.constant 1 : i32
      %add3A_857 = arith.addi %scan3A_692, %add3A_856 : i32
      %mul3A_858 = arith.constant 4 : i32
      %mul3A_859 = arith.muli %add3A_857, %mul3A_858 : i32
      %add3A_860 = arith.constant 3 : i32
      %add3A_861 = arith.addi %mul3A_859, %add3A_860 : i32
      %lt3A_862 = arith.constant 32 : i32
      %lt3A_863 = arith.cmpi slt, %add3A_861, %lt3A_862 : i32
      %convert_element_type3A_864 = arith.extui %lt3A_863 : i1 to i32
      %cond3A_865 = arith.constant 0 : i32
      %cond3A_866 = arith.cmpi ne, %convert_element_type3A_864, %cond3A_865 : i32
      scf.if %cond3A_866 {
        %sub3A_868 = arith.constant 4 : i32
        %sub3A_869 = arith.subi %add3A_861, %sub3A_868 : i32
        %mul3A_870 = arith.constant 32 : i32
        %mul3A_871 = arith.muli %sub3A_869, %mul3A_870 : i32
        %add3A_872 = arith.addi %add3A_4, %mul3A_871 : i32
        %dma_wait3A_873 = arith.constant 0 : i32
        %dma_wait3A_874 = tpu.memref_slice %arg4[%add3A_872, %dma_wait3A_873] : memref<32768x768xf32, #tpu.memory_space<hbm>> -> memref<32x768xf32, #tpu.memory_space<hbm>>
        %dma_wait3A_875 = arith.constant 0 : i32
        %dma_wait3A_876 = tpu.memref_slice %arg4[%add3A_872, %dma_wait3A_875] : memref<32768x768xf32, #tpu.memory_space<hbm>> -> memref<32x768xf32, #tpu.memory_space<hbm>>
        tpu.wait_dma2 semaphore(%arg21 : memref<!tpu.dma_semaphore, #tpu.memory_space<semaphore_mem>>) src(%arg9 : memref<32x768xf32, #tpu.memory_space<vmem>>) dst(%dma_wait3A_876 : memref<32x768xf32, #tpu.memory_space<hbm>>)
        %mul3A_877 = arith.constant 32 : i32
        %mul3A_878 = arith.muli %add3A_861, %mul3A_877 : i32
        %add3A_879 = arith.constant 0 : i32
        %add3A_880 = arith.addi %mul3A_878, %add3A_879 : i32
        %dma_start3A_881 = arith.constant 0 : i32
        %dma_start3A_882 = arith.constant 0 : i32
        %dma_start3A_883 = tpu.memref_slice %arg9[%dma_start3A_881, %dma_start3A_882] : memref<32x768xf32, #tpu.memory_space<vmem>> -> memref<16x768xf32, #tpu.memory_space<vmem>>
        %dma_start3A_884 = tpu.memref_slice %arg5[%add3A_880] : memref<1024xi32, #tpu.memory_space<vmem>> -> memref<16xi32, #tpu.memory_space<vmem>>
        %dma_start3A_885 = arith.constant 0 : i32
        %dma_start3A_886 = arith.constant 0 : i32
        %dma_start3A_887 = tpu.memref_slice %arg2[%dma_start3A_885, %dma_start3A_886] : memref<32768x768xf32, #tpu.memory_space<hbm>> -> memref<32768x768xf32, #tpu.memory_space<hbm>>
        tpu.enqueue_indirect_dma source(%dma_start3A_887 : memref<32768x768xf32, #tpu.memory_space<hbm>>) target(%dma_start3A_883 : memref<16x768xf32, #tpu.memory_space<vmem>>) offsets(%dma_start3A_884 : memref<16xi32, #tpu.memory_space<vmem>>) semaphore(%arg16 : memref<!tpu.dma_semaphore, #tpu.memory_space<semaphore_mem>>)
        %mul3A_888 = arith.constant 32 : i32
        %mul3A_889 = arith.muli %add3A_861, %mul3A_888 : i32
        %add3A_890 = arith.constant 16 : i32
        %add3A_891 = arith.addi %mul3A_889, %add3A_890 : i32
        %dma_start3A_892 = arith.constant 16 : i32
        %dma_start3A_893 = arith.constant 0 : i32
        %dma_start3A_894 = tpu.memref_slice %arg9[%dma_start3A_892, %dma_start3A_893] : memref<32x768xf32, #tpu.memory_space<vmem>> -> memref<16x768xf32, #tpu.memory_space<vmem>>
        %dma_start3A_895 = tpu.memref_slice %arg5[%add3A_891] : memref<1024xi32, #tpu.memory_space<vmem>> -> memref<16xi32, #tpu.memory_space<vmem>>
        %dma_start3A_896 = arith.constant 0 : i32
        %dma_start3A_897 = arith.constant 0 : i32
        %dma_start3A_898 = tpu.memref_slice %arg2[%dma_start3A_896, %dma_start3A_897] : memref<32768x768xf32, #tpu.memory_space<hbm>> -> memref<32768x768xf32, #tpu.memory_space<hbm>>
        tpu.enqueue_indirect_dma source(%dma_start3A_898 : memref<32768x768xf32, #tpu.memory_space<hbm>>) target(%dma_start3A_894 : memref<16x768xf32, #tpu.memory_space<vmem>>) offsets(%dma_start3A_895 : memref<16xi32, #tpu.memory_space<vmem>>) semaphore(%arg17 : memref<!tpu.dma_semaphore, #tpu.memory_space<semaphore_mem>>)
      } else {
      }
      %scan3A_867 = arith.constant 0 : i32
      scf.yield %scan3A_867 : i32
    }
    %scan3A_668 = arith.constant 8 : i32
    %add3A_669 = arith.constant 896 : i32
    %add3A_670 = arith.addi %add3A_4, %add3A_669 : i32
    %dma_wait3A = arith.constant 0 : i32
    %dma_wait3A_671 = tpu.memref_slice %arg4[%add3A_670, %dma_wait3A] : memref<32768x768xf32, #tpu.memory_space<hbm>> -> memref<32x768xf32, #tpu.memory_space<hbm>>
    %dma_wait3A_672 = arith.constant 0 : i32
    %dma_wait3A_673 = tpu.memref_slice %arg4[%add3A_670, %dma_wait3A_672] : memref<32768x768xf32, #tpu.memory_space<hbm>> -> memref<32x768xf32, #tpu.memory_space<hbm>>
    tpu.wait_dma2 semaphore(%arg18 : memref<!tpu.dma_semaphore, #tpu.memory_space<semaphore_mem>>) src(%arg6 : memref<32x768xf32, #tpu.memory_space<vmem>>) dst(%dma_wait3A_673 : memref<32x768xf32, #tpu.memory_space<hbm>>)
    %add3A_674 = arith.constant 928 : i32
    %add3A_675 = arith.addi %add3A_4, %add3A_674 : i32
    %dma_wait3A_676 = arith.constant 0 : i32
    %dma_wait3A_677 = tpu.memref_slice %arg4[%add3A_675, %dma_wait3A_676] : memref<32768x768xf32, #tpu.memory_space<hbm>> -> memref<32x768xf32, #tpu.memory_space<hbm>>
    %dma_wait3A_678 = arith.constant 0 : i32
    %dma_wait3A_679 = tpu.memref_slice %arg4[%add3A_675, %dma_wait3A_678] : memref<32768x768xf32, #tpu.memory_space<hbm>> -> memref<32x768xf32, #tpu.memory_space<hbm>>
    tpu.wait_dma2 semaphore(%arg19 : memref<!tpu.dma_semaphore, #tpu.memory_space<semaphore_mem>>) src(%arg7 : memref<32x768xf32, #tpu.memory_space<vmem>>) dst(%dma_wait3A_679 : memref<32x768xf32, #tpu.memory_space<hbm>>)
    %add3A_680 = arith.constant 960 : i32
    %add3A_681 = arith.addi %add3A_4, %add3A_680 : i32
    %dma_wait3A_682 = arith.constant 0 : i32
    %dma_wait3A_683 = tpu.memref_slice %arg4[%add3A_681, %dma_wait3A_682] : memref<32768x768xf32, #tpu.memory_space<hbm>> -> memref<32x768xf32, #tpu.memory_space<hbm>>
    %dma_wait3A_684 = arith.constant 0 : i32
    %dma_wait3A_685 = tpu.memref_slice %arg4[%add3A_681, %dma_wait3A_684] : memref<32768x768xf32, #tpu.memory_space<hbm>> -> memref<32x768xf32, #tpu.memory_space<hbm>>
    tpu.wait_dma2 semaphore(%arg20 : memref<!tpu.dma_semaphore, #tpu.memory_space<semaphore_mem>>) src(%arg8 : memref<32x768xf32, #tpu.memory_space<vmem>>) dst(%dma_wait3A_685 : memref<32x768xf32, #tpu.memory_space<hbm>>)
    %add3A_686 = arith.constant 992 : i32
    %add3A_687 = arith.addi %add3A_4, %add3A_686 : i32
    %dma_wait3A_688 = arith.constant 0 : i32
    %dma_wait3A_689 = tpu.memref_slice %arg4[%add3A_687, %dma_wait3A_688] : memref<32768x768xf32, #tpu.memory_space<hbm>> -> memref<32x768xf32, #tpu.memory_space<hbm>>
    %dma_wait3A_690 = arith.constant 0 : i32
    %dma_wait3A_691 = tpu.memref_slice %arg4[%add3A_687, %dma_wait3A_690] : memref<32768x768xf32, #tpu.memory_space<hbm>> -> memref<32x768xf32, #tpu.memory_space<hbm>>
    tpu.wait_dma2 semaphore(%arg21 : memref<!tpu.dma_semaphore, #tpu.memory_space<semaphore_mem>>) src(%arg9 : memref<32x768xf32, #tpu.memory_space<vmem>>) dst(%dma_wait3A_691 : memref<32x768xf32, #tpu.memory_space<hbm>>)
    return
  }
}

</mosaic_0001>

<sc_bundles>
// kernel: kernel.3.cloned.1.call-start
scs
__scs_entry_jumppad:
0x0: {  	(pc) =	sbr.rel $0x88, $3  }
0x1: {  	(tag) =	ssettag $0x0;
	lr =	simm.s32 $0x1  }
0x2: {  	[smem:$0x3F9F] =	sst lr;
	_ =	strace $0xD0000000  }
0x3: {  	_ = 	snop  }
0x4: {  	_ = 	snop  }
0x5: {  	_ = 	snop  }
0x6: {  	_ = 	snop  }
0x7: {  	_ = 	snop  }
__scs_overlays_trampoline_lowered:
0x8: {  	[smem:$0x3FAE] =	sst s0  }
0x9: {  	[smem:$0x3FAF] =	sst s1  }
0xa: {  	[smem:$0x3FB0] =	sst s2  }
0xb: {  	[smem:$0x3FB1] =	sst s3  }
0xc: {  	[smem:$0x3FB2] =	sst s4  }
0xd: {  	[smem:$0x3FB3] =	sst s5  }
0xe: {  	[smem:$0x3FB4] =	sst s6  }
0xf: {  	[smem:$0x3FB5] =	sst s7  }
0x10: {  	[smem:$0x3FB6] =	sst s8  }
0x11: {  	[smem:$0x3FB7] =	sst s9;
	s0 =	simm.s32 @!p0 $0x0  }
0x12: {  	s1 =	sld [smem:$0x3F9D];
	s0 =	simm.s32 @p0 $0x1  }
0x13: {  	[smem:$0x3FB8] =	sst s0;
	s0 =	simm.s32 @!p1 $0x0  }
0x14: {  	s2 =	sld [smem:$0x3F9C];
	s0 =	simm.s32 @p1 $0x1  }
0x15: {  	[smem:$0x3FB9] =	sst s0;
	s0 =	simm.s32 @!p2 $0x0  }
0x16: {  	s3 =	sld [smem:$0x3FDB];
	s0 =	simm.s32 @p2 $0x1  }
0x17: {  	s4 =	simm.s32 $0x1BF5;
	[smem:$0x3FBB] =	sst s0  }
0x18: {  	s0 =	sld [smem:$0x3F9E];
	_ =	swait.ge [sflag:s4], $0x0  }
0x19: {  	s7 =	sld [smem:$0x3F9F]  }
0x1a: {  	s8 =	sadd.s32 $0xFFFFE003, lr  }
0x1b: {  	s9 =	sadd.s32 $0xFFFFFEF7, lr;
	s5 =	simm.s32 $0xFFFFFFFF;
	p2 =	slt.u32 s8, $0xFFFFF086  }
0x1c: {  	p1 =	slt.u32 s9, $0xF7A;
	s5 =	simm.s32 @!p2 $0x0  }
0x1d: {  	s5 =	simm.s32 @p1 $0x1;
	p0 =	seq.s32 s7, s2  }
0x1e: {  	s7 =	smul.u32 @!p0 $0xF7A, s2;
	p2 =	seq.s32 @!p0 s5, $0x0  }
0x1f: {  	s9 =	smul.u32 $0xF7A, s1;
	s8 =	simm.s32 @!p0 $0x1BF5;
	p2 =	por !p2, p0  }
0x20: {  	[sflag:s8] =	ssyncset.s32 @!p0 $0xFFFFF086;
	s6 =	sadd.s32 @!p0 s3, s7;
	s7 =	simm.s32 @!p0 $0x108  }
0x21: {  	s3 =	sadd.s32 s3, s9;
	s6 =	sadd.s32 @!p0 $0x88, s6;
	s7 =	simm.s32 @p2 $0x1082  }
0x22: {  	[simem:s7], [sflag:s8] =	dma.local @!p0 [hbm:s6], $0xF7A  }
0x23: {  	s9 =	sor.u32 $0xD0000000, s2;
	s6 =	simm.s32 $0x108;
	_ =	swait.ge @!p0 [sflag:s8], $0x0  }
0x24: {  	s3 =	sadd.s32 $0x88, s3;
	s6 =	simm.s32 @!p1 $0x1082;
	[sflag:s4] =	ssyncset.s32 $0xFFFFF086  }
0x25: {  	[simem:s6], [sflag:s4] =	dma.local [hbm:s3], $0xF7A  }
0x26: {  	[smem:$0x3F9F] =	sst s1;
	(tag) =	ssettag s2;
	_ =	strace s9  }
0x27: {  	s1 =	sld [smem:$0x3FAF]  }
0x28: {  	s2 =	sld [smem:$0x3FB0]  }
0x29: {  	s4 =	sld [smem:$0x3FB2]  }
0x2a: {  	p0 =	seq.s32 s5, $0x0;
	s5 =	sld [smem:$0x3FB3]  }
0x2b: {  	s6 =	sld [smem:$0x3FB4]  }
0x2c: {  	s7 =	sld [smem:$0x3FB5]  }
0x2d: {  	s3 =	simm.s32 $0x108;
	s8 =	sld [smem:$0x3FB6]  }
0x2e: {  	s3 =	simm.s32 @!p0 $0x1082;
	s9 =	sld [smem:$0x3FB7]  }
0x2f: {  	lr =	sadd.s32 s0, s3;
	s0 =	sld [smem:$0x3FAE]  }
0x30: {  	s3 =	sld [smem:$0x3FB1]  }
0x31: {  	[smem:$0x3FBA] =	sst s10  }
0x32: {  	s10 =	sld [smem:$0x3FB8];
	_ =	sdelay $0x3  }
0x33: {  	p0 =	seq.s32 s10, $0x1;
	s10 =	sld [smem:$0x3FBA];
	_ =	sdelay $0x3  }
0x34: {  	[smem:$0x3FBA] =	sst s10  }
0x35: {  	s10 =	sld [smem:$0x3FB9];
	_ =	sdelay $0x3  }
0x36: {  	p1 =	seq.s32 s10, $0x1;
	s10 =	sld [smem:$0x3FBA];
	_ =	sdelay $0x3  }
0x37: {  	[smem:$0x3FBA] =	sst s10  }
0x38: {  	s10 =	sld [smem:$0x3FBB]  }
0x39: {  	_ = 	snop;
	(pc) =	sbr.ind lr, $3  }
0x3a: {  	_ = 	snop  }
0x3b: {  	_ = 	snop  }
0x3c: {  	p2 =	seq.s32 s10, $0x1;
	s10 =	sld [smem:$0x3FBA]  }
0x3d: {  	_ =	shalt  }
0x3e: {  	_ =	shalt  }
0x3f: {  	_ =	shalt  }
0x40: {  	_ =	shalt  }
0x41: {  	_ =	shalt  }
0x42: {  	_ =	shalt  }
0x43: {  	_ =	shalt  }
0x44: {  	_ =	shalt  }
0x45: {  	_ =	shalt  }
0x46: {  	_ =	shalt  }
0x47: {  	_ =	shalt  }
0x48: {  	_ =	shalt  }
0x49: {  	_ =	shalt  }
0x4a: {  	_ =	shalt  }
0x4b: {  	_ =	shalt  }
0x4c: {  	_ =	shalt  }
0x4d: {  	_ =	shalt  }
0x4e: {  	_ =	shalt  }
0x4f: {  	_ =	shalt  }
0x50: {  	_ =	shalt  }
0x51: {  	_ =	shalt  }
0x52: {  	_ =	shalt  }
0x53: {  	_ =	shalt  }
0x54: {  	_ =	shalt  }
0x55: {  	_ =	shalt  }
0x56: {  	_ =	shalt  }
0x57: {  	_ =	shalt  }
0x58: {  	_ =	shalt  }
0x59: {  	_ =	shalt  }
0x5a: {  	_ =	shalt  }
0x5b: {  	_ =	shalt  }
0x5c: {  	_ =	shalt  }
0x5d: {  	_ =	shalt  }
0x5e: {  	_ =	shalt  }
0x5f: {  	_ =	shalt  }
0x60: {  	_ =	shalt  }
0x61: {  	_ =	shalt  }
0x62: {  	_ =	shalt  }
0x63: {  	_ =	shalt  }
0x64: {  	_ =	shalt  }
0x65: {  	_ =	shalt  }
0x66: {  	_ =	shalt  }
0x67: {  	_ =	shalt  }
0x68: {  	_ =	shalt  }
0x69: {  	_ =	shalt  }
0x6a: {  	_ =	shalt  }
0x6b: {  	_ =	shalt  }
0x6c: {  	_ =	shalt  }
0x6d: {  	_ =	shalt  }
0x6e: {  	_ =	shalt  }
0x6f: {  	_ =	shalt  }
0x70: {  	_ =	shalt  }
0x71: {  	_ =	shalt  }
0x72: {  	_ =	shalt  }
0x73: {  	_ =	shalt  }
0x74: {  	_ =	shalt  }
0x75: {  	_ =	shalt  }
0x76: {  	_ =	shalt  }
0x77: {  	_ =	shalt  }
0x78: {  	_ =	shalt  }
0x79: {  	_ =	shalt  }
0x7a: {  	_ =	shalt  }
0x7b: {  	_ =	shalt  }
0x7c: {  	_ =	shalt  }
0x7d: {  	_ =	shalt  }
0x7e: {  	_ =	shalt  }
0x7f: {  	_ =	shalt  }
0x80: {  	_ =	shalt  }
0x81: {  	_ =	shalt  }
0x82: {  	_ =	shalt  }
0x83: {  	_ =	shalt  }
0x84: {  	_ =	shalt  }
0x85: {  	_ =	shalt  }
0x86: {  	_ =	shalt  }
0x87: {  	_ =	shalt  }
.Lfunc_end0:
.L_simem_size_0:
called_computation_lowered:
.L_overlay_start_0:
0x88: {  	s2 =	sld [smem:$0x3FD9]  }
0x89: {  	s3 =	sld [smem:$0x3FFE];
	_ =	sdelay $0x1  }
0x8a: {  	s1 =	srdreg.scid  }
0x8b: {  	s0 =	sand.u32 $0x1, s1  }
0x8c: {  	s18 =	sshll.u32 s0, $0xA;
	s2 =	sadd.s32 s3, s2  }
0x8d: {  	s2 =	sadd.s32 s2, s18  }
0x8e: {  	[smem:$0x3FC6] =	sst s2  }
0x8f: {  	_ = 	snop  }
0x90: {  	s2 =	sld [smem:$0x3FC9]  }
0x91: {  	s19 =	sld [smem:$0x3FC8]  }
0x92: {  	s4 =	sld [smem:$0x3FD0];
	(tm) =	ssettm $0x1  }
0x93: {  	s5 =	sld [smem:$0x3FFB];
	_ =	sdelay $0x3  }
0x94: {  	_ =	strace s5  }
0x95: {  	s5 =	sld [smem:$0x3FFC];
	_ =	sdelay $0x3  }
0x96: {  	_ =	strace s5  }
0x97: {  	s5 =	sld [smem:$0x3FFD];
	_ =	sdelay $0x3  }
0x98: {  	_ =	strace s5  }
0x99: {  	_ =	strace $0x8FFFFFFF  }
0x9a: {  	s20 =	sld [smem:$0x3FDB];
	_ =	sdelay $0x1  }
0x9b: {  	s6 =	simm.s32 $_scs_section_size  }
0x9c: {  	s7 =	simm.s32 $_size__tile_overlayer_lowered;
	s8 =	simm.s32 $_tile_overlayer_lowered  }
0x9d: {  	s23 =	simm.s32 $0x1BFF;
	s22 =	sshll.u32 s8, $0x1;
	s5 =	sadd.s32 s6, s20  }
0x9e: {  	s9 =	simm.s32 $0x0;
	s21 =	sshll.u32 s7, $0x1;
	s7 =	sadd.s32 s22, s5  }
0x9f: {  	[timem:s9], [sflag:s23] =	dma.local [hbm:s7], s21  }
0xa0: {  	_ =	swait.ge [sflag:s23], s21  }
0xa1: {  	s6 =	ssub.s32 $0x0, s21;
	[sflag:s23] =	ssyncset.done $0x0  }
0xa2: {  	[sflag:s23] =	ssyncadd.s32 s6;
	_ =	sdelay $0x1  }
0xa3: {  	s24 =	simm.s32 $0x1B8B  }
0xa4: {  	_ =	swait.ge [sflag:s24], $0x1  }
0xa5: {  	[sflag:s24] =	ssyncset.done $0x0  }
0xa6: {  	s25 =	simm.s32 $0x1B8E;
	[sflag:s24] =	ssyncadd.s32 $0xFFFFFFFF  }
0xa7: {  	s26 =	simm.s32 $execute0_lowered;
	[smem:$0x3FD2] =	sst s25  }
0xa8: {  	s6 =	sshll.u32 s26, $0x1;
	_ =	strace $0x80000046;
	[dreg:$0x1] =	wrdreg $0xFFFFFFFF  }
0xa9: {  	s28 =	simm.s32 $_size_execute0_lowered;
	s5 =	sadd.s32 s5, s6;
	[dreg:$0x0] =	wrdreg $0x0  }
0xaa: {  	s6 =	sshll.u32 s28, $0x1;
	[dreg:$0x2] =	wrdreg s5  }
0xab: {  	[dreg:$0x3] =	wrdreg s6  }
0xac: {  	[dreg:$0x4] =	wrdreg $0xC0  }
0xad: {  	_ =	task [dreg:s9], $0x5FFFF  }
0xae: {  	[dreg:$0x1] =	wrdreg $0xFFFFFFFF  }
0xaf: {  	[dreg:$0x0] =	wrdreg $0x60  }
0xb0: {  	[dreg:$0x2] =	wrdreg s2  }
0xb1: {  	[dreg:$0x3] =	wrdreg s19  }
0xb2: {  	[dreg:$0x4] =	wrdreg s4  }
0xb3: {  	[dreg:$0x5] =	wrdreg $0x9  }
0xb4: {  	_ =	task.clear_ibuf [dreg:s9], $0x6FFFF;
	_ =	strace $0x90000046  }
0xb5: {  	s29 =	simm.s32 $0x9;
	_ =	strace $0x80000048  }
0xb6: {  	_ =	swait.ge [sflag:s29], $0x1  }
0xb7: {  	[sflag:s29] =	ssyncadd.s32 $0xFFFFFFFF  }
0xb8: {  	_ =	strace $0x90000048  }
0xb9: {  	_ =	sfence  }
0xba: {  	s30 =	sld [smem:$0x0];
	_ =	sdelay $0x2  }
0xbb: {  	s31 =	sshll.u32 s1, $0xD;
	s1 =	sshrl.u32 s1, $0x2  }
0xbc: {  	s3 =	sand.u32 $0x4000, s31;
	s1 =	sadd.s32 s1, s30  }
0xbd: {  	s0 =	sor.u32 s3, s0;
	s1 =	sshll.u32 s1, $0x11  }
0xbe: {  	s0 =	sor.u32 s1, s0  }
0xbf: {  	s0 =	sadd.s32 $0x8F2B, s0  }
0xc0: {  	[sflag:s0] =	ssyncadd.remote.s32 $0x1  }
0xc1: {  	_ =	sfence.sel $0xFFFF  }
0xc2: {  	[dreg:$0x0] =	wrdreg $0xFFFFFFFF;
	(pc) =	sbr.abs _section_cstart, $3  }
0xc3: {  	[dreg:$0x1] =	wrdreg $0xFFFFFFFF  }
0xc4: {  	_ =	task.clear_ibuf [dreg:s9], $0x2FFFF;
	_ =	strace $0x9FFFFFFF  }
0xc5: {  	(tm) =	ssettm $0x7FFFFFFF  }
tec
execute0_lowered:
.L_overlay_start_1:
0x0: {  	(tag) =	ssettag $0x1  }
0x1: {  	s2 =	rddreg [dreg:$0x0]  }
0x2: {  	s0 =	srdreg.scid;
	s1 =	rddreg [dreg:$0x2]  }
0x3: {  	s3 =	stileid.u32;
	s4 =	simm.s32 $0x0;
	s10 =	simm.s32 $0x400  }
0x4: {  	s22 =	simm.s32 $0x6400;
	s7 =	simm.s32 $0xC400;
	s21 =	simm.s32 $0x12400  }
0x5: {  	s29 =	simm.s32 $0x15400;
	s30 =	simm.s32 $0x15C00;
	s31 =	simm.s32 $0x16400  }
0x6: {  	s9 =	simm.s32 $0x1;
	s11 =	simm.s32 $0x2;
	s12 =	simm.s32 $0x3  }
0x7: {  	s13 =	simm.s32 $0x4;
	s14 =	simm.s32 $0x5;
	s15 =	simm.s32 $0x6  }
0x8: {  	s16 =	simm.s32 $0x7;
	s18 =	simm.s32 $0x9;
	s19 =	simm.s32 $0xA  }
0x9: {  	s20 =	simm.s32 $0xB;
	s23 =	simm.s32 $0xC;
	s25 =	simm.s32 $0x0  }
0xa: {  	s0 =	sand.u32 $0x1, s0;
	s3 =	sshll.u32 s3, $0xB;
	[smem:$0x7FF] =	sst s4  }
0xb: {  	s6 =	sadd.s32 $0x200, s2;
	s5 =	sshll.u32 s0, $0xA;
	s0 =	ssub.s32 $0x2, s0  }
.Ltmp0:
0xc: {  	s17 =	sor.u32 s5, s3;
	s26 =	sshrl.u32 s0, $0x1;
	(pc) =	sbr.rel .LBB2_1-.Ltmp0, $4  }
0xd: {  	_ =	strace $0x80000047;
	s5 =	sshrl.u32 s17, $0x3;
	s0 =	ssub.s32 s0, s26  }
0xe: {  	v3 =	vlaneseq.u32;
	s3 =	simm.s32 $0x17C00;
	s28 =	smul.u32 $0x300, s5;
	s0 =	smax.u32 s0, $0x1  }
0xf: {  	vm0 =	vmmov $0xffff;
	v2 =	vshrl.u32 v3, $0x3;
	v0 =	vmov s17;
	s17 =	simm.s32 $0x8;
	s5 =	sadd.s32 $0x100, s2;
	[dreg:$0x4] =	wrdreg s0  }
0x10: {  	v1 =	vand.u32 $0x7, v3;
	v3 =	vor.u32 $0x8, v3;
	v2 =	vmul.u32 $0x8, v2;
	s0 =	simm.s32 $0x16C00;
	s8 =	sadd.s32 s28, s1;
	s1 =	simm.s32 $0x17400  }
.LBB2_4:
0x11: {  	_ =	swait.ge [sflag:s18], $0x6000  }
0x12: {  	[sflag:s18] =	ssyncset.done $0x0  }
0x13: {  	[sflag:s18] =	ssyncadd.s32 $0xFFFFA000  }
0x14: {  	_ =	swait.ge [sflag:s19], $0x6000  }
0x15: {  	[sflag:s19] =	ssyncset.done $0x0  }
0x16: {  	[sflag:s19] =	ssyncadd.s32 $0xFFFFA000  }
0x17: {  	_ =	swait.ge [sflag:s20], $0x6000  }
0x18: {  	[sflag:s20] =	ssyncset.done $0x0  }
0x19: {  	[sflag:s20] =	ssyncadd.s32 $0xFFFFA000  }
0x1a: {  	_ =	swait.ge [sflag:s23], $0x6000  }
0x1b: {  	s25 =	rddreg [dreg:$0x5]  }
0x1c: {  	s24 =	rddreg [dreg:$0x4];
	s25 =	sadd.s32 $0x1, s25  }
0x1d: {  	p0 =	sne.s32 s25, s24  }
.Ltmp1:
0x1e: {  	_ = 	snop;
	(pc) =	sbr.rel @!p0 .LBB2_5-.Ltmp1, $3  }
0x1f: {  	_ =	sdelay $0x1  }
0x20: {  	[sflag:s23] =	ssyncset.done $0x0  }
0x21: {  	[sflag:s23] =	ssyncadd.s32 $0xFFFFA000  }
.LBB2_1:
0x22: {  	[dreg:$0x5] =	wrdreg s25  }
0x23: {  	s24 =	rddreg [dreg:$0x1];
	s25 =	simm.s32 $0xD  }
0x24: {  	[tilespmem:s4], [sflag:$0xD] =	stream.linear.gather [hbm4b:s24+s4], $0x400, $0x38;
	[tilespmem:$0x18400] =	vst v63  }
0x25: {  	_ =	swait.ge [sflag:s25], $0x400  }
0x26: {  	[sflag:s25] =	ssyncset.done $0x0  }
0x27: {  	[sflag:s25] =	ssyncadd.s32 $0xFFFFFC00  }
0x28: {  	v4 =	vld [tilespmem:$0x0]  }
0x29: {  	v6 =	vld [tilespmem:$0x10]  }
0x2a: {  	v7 =	vld [tilespmem:$0x20]  }
0x2b: {  	v8 =	vld [tilespmem:$0x30]  }
0x2c: {  	v9 =	vld [tilespmem:$0x40]  }
0x2d: {  	v10 =	vld [tilespmem:$0x50];
	v5 =	vadd.s32 v0, v4  }
0x2e: {  	v11 =	vld [tilespmem:$0x60];
	v6 =	vadd.s32 v0, v6;
	[tilespmem:$0x0] =	vst v5  }
0x2f: {  	v55 =	vld [tilespmem:$0x70];
	v54 =	vadd.s32 v0, v7;
	[tilespmem:$0x10] =	vst v6  }
0x30: {  	v57 =	vld [tilespmem:$0x80];
	v56 =	vadd.s32 v0, v8;
	[tilespmem:$0x20] =	vst v54  }
0x31: {  	v59 =	vld [tilespmem:$0x90];
	v58 =	vadd.s32 v0, v9;
	[tilespmem:$0x30] =	vst v56  }
0x32: {  	v61 =	vld [tilespmem:$0xA0];
	v60 =	vadd.s32 v0, v10;
	[tilespmem:$0x40] =	vst v58  }
0x33: {  	v63 =	vld [tilespmem:$0xB0];
	v62 =	vadd.s32 v0, v11;
	[tilespmem:$0x50] =	vst v60  }
0x34: {  	v13 =	vld [tilespmem:$0xC0];
	v12 =	vadd.s32 v0, v55;
	[tilespmem:$0x60] =	vst v62  }
0x35: {  	v15 =	vld [tilespmem:$0xD0];
	v14 =	vadd.s32 v0, v57;
	[tilespmem:$0x70] =	vst v12  }
0x36: {  	v17 =	vld [tilespmem:$0xE0];
	v16 =	vadd.s32 v0, v59;
	[tilespmem:$0x80] =	vst v14  }
0x37: {  	v19 =	vld [tilespmem:$0xF0];
	v18 =	vadd.s32 v0, v61;
	[tilespmem:$0x90] =	vst v16  }
0x38: {  	v21 =	vld [tilespmem:$0x100];
	v20 =	vadd.s32 v0, v63;
	[tilespmem:$0xA0] =	vst v18  }
0x39: {  	v23 =	vld [tilespmem:$0x110];
	v22 =	vadd.s32 v0, v13;
	[tilespmem:$0xB0] =	vst v20  }
0x3a: {  	v25 =	vld [tilespmem:$0x120];
	v24 =	vadd.s32 v0, v15;
	[tilespmem:$0xC0] =	vst v22  }
0x3b: {  	v27 =	vld [tilespmem:$0x130];
	v26 =	vadd.s32 v0, v17;
	[tilespmem:$0xD0] =	vst v24  }
0x3c: {  	v29 =	vld [tilespmem:$0x140];
	v28 =	vadd.s32 v0, v19;
	[tilespmem:$0xE0] =	vst v26  }
0x3d: {  	v31 =	vld [tilespmem:$0x150];
	v30 =	vadd.s32 v0, v21;
	[tilespmem:$0xF0] =	vst v28  }
0x3e: {  	v33 =	vld [tilespmem:$0x160];
	v32 =	vadd.s32 v0, v23;
	[tilespmem:$0x100] =	vst v30  }
0x3f: {  	v35 =	vld [tilespmem:$0x170];
	v34 =	vadd.s32 v0, v25;
	[tilespmem:$0x110] =	vst v32  }
0x40: {  	v37 =	vld [tilespmem:$0x180];
	v36 =	vadd.s32 v0, v27;
	[tilespmem:$0x120] =	vst v34  }
0x41: {  	v39 =	vld [tilespmem:$0x190];
	v38 =	vadd.s32 v0, v29;
	[tilespmem:$0x130] =	vst v36  }
0x42: {  	v41 =	vld [tilespmem:$0x1A0];
	v40 =	vadd.s32 v0, v31;
	[tilespmem:$0x140] =	vst v38  }
0x43: {  	v43 =	vld [tilespmem:$0x1B0];
	v42 =	vadd.s32 v0, v33;
	[tilespmem:$0x150] =	vst v40  }
0x44: {  	v45 =	vld [tilespmem:$0x1C0];
	v44 =	vadd.s32 v0, v35;
	[tilespmem:$0x160] =	vst v42  }
0x45: {  	v47 =	vld [tilespmem:$0x1D0];
	v46 =	vadd.s32 v0, v37;
	[tilespmem:$0x170] =	vst v44  }
0x46: {  	v49 =	vld [tilespmem:$0x1E0];
	v48 =	vadd.s32 v0, v39;
	[tilespmem:$0x180] =	vst v46  }
0x47: {  	v51 =	vld [tilespmem:$0x1F0];
	v50 =	vadd.s32 v0, v41;
	[tilespmem:$0x190] =	vst v48  }
0x48: {  	v53 =	vld [tilespmem:$0x200];
	v52 =	vadd.s32 v0, v43;
	[tilespmem:$0x1A0] =	vst v50  }
0x49: {  	v55 =	vld [tilespmem:$0x210];
	[tilespmem:$0x1B0] =	vst v52;
	v54 =	vadd.s32 v0, v45  }
0x4a: {  	v57 =	vld [tilespmem:$0x220];
	v56 =	vadd.s32 v0, v47;
	[tilespmem:$0x1C0] =	vst v54  }
0x4b: {  	v59 =	vld [tilespmem:$0x230];
	v58 =	vadd.s32 v0, v49;
	[tilespmem:$0x1D0] =	vst v56  }
0x4c: {  	v61 =	vld [tilespmem:$0x240];
	v60 =	vadd.s32 v0, v51;
	[tilespmem:$0x1E0] =	vst v58  }
0x4d: {  	v63 =	vld [tilespmem:$0x250];
	v62 =	vadd.s32 v0, v53;
	[tilespmem:$0x1F0] =	vst v60  }
0x4e: {  	v13 =	vld [tilespmem:$0x260];
	[tilespmem:$0x200] =	vst v62;
	v12 =	vadd.s32 v0, v55  }
0x4f: {  	v15 =	vld [tilespmem:$0x270];
	v14 =	vadd.s32 v0, v57;
	[tilespmem:$0x210] =	vst v12  }
0x50: {  	v17 =	vld [tilespmem:$0x280];
	v16 =	vadd.s32 v0, v59;
	[tilespmem:$0x220] =	vst v14  }
0x51: {  	v19 =	vld [tilespmem:$0x290];
	v18 =	vadd.s32 v0, v61;
	[tilespmem:$0x230] =	vst v16  }
0x52: {  	v21 =	vld [tilespmem:$0x2A0];
	v20 =	vadd.s32 v0, v63;
	[tilespmem:$0x240] =	vst v18  }
0x53: {  	v23 =	vld [tilespmem:$0x2B0];
	v22 =	vadd.s32 v0, v13;
	[tilespmem:$0x250] =	vst v20  }
0x54: {  	v25 =	vld [tilespmem:$0x2C0];
	v24 =	vadd.s32 v0, v15;
	[tilespmem:$0x260] =	vst v22  }
0x55: {  	v27 =	vld [tilespmem:$0x2D0];
	v26 =	vadd.s32 v0, v17;
	[tilespmem:$0x270] =	vst v24  }
0x56: {  	v29 =	vld [tilespmem:$0x2E0];
	v28 =	vadd.s32 v0, v19;
	[tilespmem:$0x280] =	vst v26  }
0x57: {  	v31 =	vld [tilespmem:$0x2F0];
	v30 =	vadd.s32 v0, v21;
	[tilespmem:$0x290] =	vst v28  }
0x58: {  	v33 =	vld [tilespmem:$0x300];
	v32 =	vadd.s32 v0, v23;
	[tilespmem:$0x2A0] =	vst v30  }
0x59: {  	v35 =	vld [tilespmem:$0x310];
	v34 =	vadd.s32 v0, v25;
	[tilespmem:$0x2B0] =	vst v32  }
0x5a: {  	v37 =	vld [tilespmem:$0x320];
	v36 =	vadd.s32 v0, v27;
	[tilespmem:$0x2C0] =	vst v34  }
0x5b: {  	v39 =	vld [tilespmem:$0x330];
	v38 =	vadd.s32 v0, v29;
	[tilespmem:$0x2D0] =	vst v36  }
0x5c: {  	v41 =	vld [tilespmem:$0x340];
	v40 =	vadd.s32 v0, v31;
	[tilespmem:$0x2E0] =	vst v38  }
0x5d: {  	v43 =	vld [tilespmem:$0x350];
	v42 =	vadd.s32 v0, v33;
	[tilespmem:$0x2F0] =	vst v40  }
0x5e: {  	v45 =	vld [tilespmem:$0x360];
	v44 =	vadd.s32 v0, v35;
	[tilespmem:$0x300] =	vst v42  }
0x5f: {  	v47 =	vld [tilespmem:$0x370];
	v46 =	vadd.s32 v0, v37;
	[tilespmem:$0x310] =	vst v44  }
0x60: {  	v49 =	vld [tilespmem:$0x380];
	v48 =	vadd.s32 v0, v39;
	[tilespmem:$0x320] =	vst v46  }
0x61: {  	v51 =	vld [tilespmem:$0x390];
	v50 =	vadd.s32 v0, v41;
	[tilespmem:$0x330] =	vst v48  }
0x62: {  	v53 =	vld [tilespmem:$0x3A0];
	v52 =	vadd.s32 v0, v43;
	[tilespmem:$0x340] =	vst v50  }
0x63: {  	v5 =	vshrl.u32 v5, $0x3;
	v55 =	vld [tilespmem:$0x3B0];
	[tilespmem:$0x350] =	vst v52;
	v54 =	vadd.s32 v0, v45  }
0x64: {  	v5 =	vmul.u32 $0x30, v5;
	v57 =	vld [tilespmem:$0x3C0];
	v56 =	vadd.s32 v0, v47;
	[tilespmem:$0x360] =	vst v54  }
0x65: {  	v4 =	vand.u32 $0x7, v4;
	v59 =	vld [tilespmem:$0x3D0];
	v58 =	vadd.s32 v0, v49;
	[tilespmem:$0x370] =	vst v56  }
0x66: {  	v4 =	vor.u32 v4, v5;
	v61 =	vld [tilespmem:$0x3E0];
	v60 =	vadd.s32 v0, v51;
	[tilespmem:$0x380] =	vst v58  }
0x67: {  	v62 =	vld [tilespmem:$0x3F0];
	v63 =	vperm.xlane v4, v1;
	v5 =	vadd.s32 v0, v53;
	[tilespmem:$0x390] =	vst v60  }
0x68: {  	[tilespmem:$0x3A0] =	vst v5;
	v5 =	vadd.s32 v0, v55  }
0x69: {  	v8 =	vadd.s32 v2, v63;
	[tilespmem:$0x3B0] =	vst v5;
	v5 =	vadd.s32 v0, v57  }
0x6a: {  	[tilespmem:$0x3C0] =	vst v5;
	v5 =	vadd.s32 v0, v59  }
0x6b: {  	[tilespmem:$0x3D0] =	vst v5;
	v5 =	vadd.s32 v0, v61  }
0x6c: {  	[tilespmem:$0x3E0] =	vst v5;
	v5 =	vadd.s32 v0, v62  }
0x6d: {  	v4 =	vperm.xlane v4, v3;
	[tilespmem:$0x3F0] =	vst v5  }
0x6e: {  	[tilespmem:s10], [sflag:$0x1] =	stream.indirect_vreg.gather [hbm4b:s2+s4], $0x80, v8, vm0, $0xb8;
	[tilespmem:$0x18400] =	vst v63  }
0x6f: {  	s26 =	simm.s32 $0xC00;
	v4 =	vadd.s32 v2, v4  }
0x70: {  	[tilespmem:s26], [sflag:$0x1] =	stream.indirect_vreg.gather [hbm4b:s5+s4], $0x80, v8, vm0, $0xb8;
	[tilespmem:$0x18400] =	vst v63  }
0x71: {  	s28 =	simm.s32 $0x1400  }
0x72: {  	[tilespmem:s28], [sflag:$0x1] =	stream.indirect_vreg.gather [hbm4b:s6+s4], $0x80, v8, vm0, $0xb8;
	[tilespmem:$0x18400] =	vst v63  }
0x73: {  	s25 =	simm.s32 $0x1C00  }
0x74: {  	[tilespmem:s25], [sflag:$0x1] =	stream.indirect_vreg.gather [hbm4b:s2+s4], $0x80, v4, vm0, $0xb8;
	[tilespmem:$0x18400] =	vst v63  }
0x75: {  	s26 =	simm.s32 $0x2400  }
0x76: {  	[tilespmem:s26], [sflag:$0x1] =	stream.indirect_vreg.gather [hbm4b:s5+s4], $0x80, v4, vm0, $0xb8;
	[tilespmem:$0x18400] =	vst v63  }
0x77: {  	s28 =	simm.s32 $0x2C00  }
0x78: {  	[tilespmem:s28], [sflag:$0x1] =	stream.indirect_vreg.gather [hbm4b:s6+s4], $0x80, v4, vm0, $0xb8;
	[tilespmem:$0x18400] =	vst v63  }
0x79: {  	v4 =	vld [tilespmem:$0x10];
	_ =	sdelay $0x4  }
0x7a: {  	v5 =	vshrl.u32 v4, $0x3  }
0x7b: {  	v5 =	vmul.u32 $0x30, v5  }
0x7c: {  	v4 =	vand.u32 $0x7, v4  }
0x7d: {  	v4 =	vor.u32 v4, v5  }
0x7e: {  	v5 =	vperm.xlane v4, v1;
	_ =	sdelay $0x1  }
0x7f: {  	v5 =	vadd.s32 v2, v5;
	_ =	sdelay $0x3  }
0x80: {  	s25 =	simm.s32 $0x3400;
	v4 =	vperm.xlane v4, v3  }
0x81: {  	[tilespmem:s25], [sflag:$0x2] =	stream.indirect_vreg.gather [hbm4b:s2+s4], $0x80, v5, vm0, $0xb8;
	[tilespmem:$0x18400] =	vst v63  }
0x82: {  	s26 =	simm.s32 $0x3C00;
	v4 =	vadd.s32 v2, v4  }
0x83: {  	[tilespmem:s26], [sflag:$0x2] =	stream.indirect_vreg.gather [hbm4b:s5+s4], $0x80, v5, vm0, $0xb8;
	[tilespmem:$0x18400] =	vst v63  }
0x84: {  	s28 =	simm.s32 $0x4400  }
0x85: {  	[tilespmem:s28], [sflag:$0x2] =	stream.indirect_vreg.gather [hbm4b:s6+s4], $0x80, v5, vm0, $0xb8;
	[tilespmem:$0x18400] =	vst v63  }
0x86: {  	s25 =	simm.s32 $0x4C00  }
0x87: {  	[tilespmem:s25], [sflag:$0x2] =	stream.indirect_vreg.gather [hbm4b:s2+s4], $0x80, v4, vm0, $0xb8;
	[tilespmem:$0x18400] =	vst v63  }
0x88: {  	s26 =	simm.s32 $0x5400  }
0x89: {  	[tilespmem:s26], [sflag:$0x2] =	stream.indirect_vreg.gather [hbm4b:s5+s4], $0x80, v4, vm0, $0xb8;
	[tilespmem:$0x18400] =	vst v63  }
0x8a: {  	s28 =	simm.s32 $0x5C00  }
0x8b: {  	[tilespmem:s28], [sflag:$0x2] =	stream.indirect_vreg.gather [hbm4b:s6+s4], $0x80, v4, vm0, $0xb8;
	[tilespmem:$0x18400] =	vst v63  }
0x8c: {  	v4 =	vld [tilespmem:$0x20];
	_ =	sdelay $0x4  }
0x8d: {  	v5 =	vshrl.u32 v4, $0x3  }
0x8e: {  	v5 =	vmul.u32 $0x30, v5  }
0x8f: {  	v4 =	vand.u32 $0x7, v4  }
0x90: {  	v4 =	vor.u32 v4, v5  }
0x91: {  	v5 =	vperm.xlane v4, v1;
	_ =	sdelay $0x1  }
0x92: {  	v5 =	vadd.s32 v2, v5;
	_ =	sdelay $0x3  }
0x93: {  	v4 =	vperm.xlane v4, v3  }
0x94: {  	[tilespmem:s22], [sflag:$0x3] =	stream.indirect_vreg.gather [hbm4b:s2+s4], $0x80, v5, vm0, $0xb8;
	[tilespmem:$0x18400] =	vst v63  }
0x95: {  	s25 =	simm.s32 $0x6C00;
	v4 =	vadd.s32 v2, v4  }
0x96: {  	[tilespmem:s25], [sflag:$0x3] =	stream.indirect_vreg.gather [hbm4b:s5+s4], $0x80, v5, vm0, $0xb8;
	[tilespmem:$0x18400] =	vst v63  }
0x97: {  	s26 =	simm.s32 $0x7400  }
0x98: {  	[tilespmem:s26], [sflag:$0x3] =	stream.indirect_vreg.gather [hbm4b:s6+s4], $0x80, v5, vm0, $0xb8;
	[tilespmem:$0x18400] =	vst v63  }
0x99: {  	s28 =	simm.s32 $0x7C00  }
0x9a: {  	[tilespmem:s28], [sflag:$0x3] =	stream.indirect_vreg.gather [hbm4b:s2+s4], $0x80, v4, vm0, $0xb8;
	[tilespmem:$0x18400] =	vst v63  }
0x9b: {  	s25 =	simm.s32 $0x8400  }
0x9c: {  	[tilespmem:s25], [sflag:$0x3] =	stream.indirect_vreg.gather [hbm4b:s5+s4], $0x80, v4, vm0, $0xb8;
	[tilespmem:$0x18400] =	vst v63  }
0x9d: {  	s26 =	simm.s32 $0x8C00  }
0x9e: {  	[tilespmem:s26], [sflag:$0x3] =	stream.indirect_vreg.gather [hbm4b:s6+s4], $0x80, v4, vm0, $0xb8;
	[tilespmem:$0x18400] =	vst v63  }
0x9f: {  	v4 =	vld [tilespmem:$0x30];
	_ =	sdelay $0x4  }
0xa0: {  	v5 =	vshrl.u32 v4, $0x3  }
0xa1: {  	v5 =	vmul.u32 $0x30, v5  }
0xa2: {  	v4 =	vand.u32 $0x7, v4  }
0xa3: {  	v4 =	vor.u32 v4, v5  }
0xa4: {  	v5 =	vperm.xlane v4, v1;
	_ =	sdelay $0x1  }
0xa5: {  	v5 =	vadd.s32 v2, v5;
	_ =	sdelay $0x3  }
0xa6: {  	s28 =	simm.s32 $0x9400;
	v4 =	vperm.xlane v4, v3  }
0xa7: {  	[tilespmem:s28], [sflag:$0x4] =	stream.indirect_vreg.gather [hbm4b:s2+s4], $0x80, v5, vm0, $0xb8;
	[tilespmem:$0x18400] =	vst v63  }
0xa8: {  	s25 =	simm.s32 $0x9C00;
	v4 =	vadd.s32 v2, v4  }
0xa9: {  	[tilespmem:s25], [sflag:$0x4] =	stream.indirect_vreg.gather [hbm4b:s5+s4], $0x80, v5, vm0, $0xb8;
	[tilespmem:$0x18400] =	vst v63  }
0xaa: {  	s26 =	simm.s32 $0xA400  }
0xab: {  	[tilespmem:s26], [sflag:$0x4] =	stream.indirect_vreg.gather [hbm4b:s6+s4], $0x80, v5, vm0, $0xb8;
	[tilespmem:$0x18400] =	vst v63  }
0xac: {  	s28 =	simm.s32 $0xAC00  }
0xad: {  	[tilespmem:s28], [sflag:$0x4] =	stream.indirect_vreg.gather [hbm4b:s2+s4], $0x80, v4, vm0, $0xb8;
	[tilespmem:$0x18400] =	vst v63  }
0xae: {  	s25 =	simm.s32 $0xB400  }
0xaf: {  	[tilespmem:s25], [sflag:$0x4] =	stream.indirect_vreg.gather [hbm4b:s5+s4], $0x80, v4, vm0, $0xb8;
	[tilespmem:$0x18400] =	vst v63  }
0xb0: {  	s26 =	simm.s32 $0xBC00  }
0xb1: {  	[tilespmem:s26], [sflag:$0x4] =	stream.indirect_vreg.gather [hbm4b:s6+s4], $0x80, v4, vm0, $0xb8;
	[tilespmem:$0x18400] =	vst v63  }
0xb2: {  	v4 =	vld [tilespmem:$0x40];
	_ =	sdelay $0x4  }
0xb3: {  	v5 =	vshrl.u32 v4, $0x3  }
0xb4: {  	v5 =	vmul.u32 $0x30, v5  }
0xb5: {  	v4 =	vand.u32 $0x7, v4  }
0xb6: {  	v4 =	vor.u32 v4, v5  }
0xb7: {  	v5 =	vperm.xlane v4, v1;
	_ =	sdelay $0x1  }
0xb8: {  	v5 =	vadd.s32 v2, v5;
	_ =	sdelay $0x3  }
0xb9: {  	v4 =	vperm.xlane v4, v3  }
0xba: {  	[tilespmem:s7], [sflag:$0x5] =	stream.indirect_vreg.gather [hbm4b:s2+s4], $0x80, v5, vm0, $0xb8;
	[tilespmem:$0x18400] =	vst v63  }
0xbb: {  	s28 =	simm.s32 $0xCC00;
	v4 =	vadd.s32 v2, v4  }
0xbc: {  	[tilespmem:s28], [sflag:$0x5] =	stream.indirect_vreg.gather [hbm4b:s5+s4], $0x80, v5, vm0, $0xb8;
	[tilespmem:$0x18400] =	vst v63  }
0xbd: {  	s25 =	simm.s32 $0xD400  }
0xbe: {  	[tilespmem:s25], [sflag:$0x5] =	stream.indirect_vreg.gather [hbm4b:s6+s4], $0x80, v5, vm0, $0xb8;
	[tilespmem:$0x18400] =	vst v63  }
0xbf: {  	s26 =	simm.s32 $0xDC00  }
0xc0: {  	[tilespmem:s26], [sflag:$0x5] =	stream.indirect_vreg.gather [hbm4b:s2+s4], $0x80, v4, vm0, $0xb8;
	[tilespmem:$0x18400] =	vst v63  }
0xc1: {  	s28 =	simm.s32 $0xE400  }
0xc2: {  	[tilespmem:s28], [sflag:$0x5] =	stream.indirect_vreg.gather [hbm4b:s5+s4], $0x80, v4, vm0, $0xb8;
	[tilespmem:$0x18400] =	vst v63  }
0xc3: {  	s25 =	simm.s32 $0xEC00  }
0xc4: {  	[tilespmem:s25], [sflag:$0x5] =	stream.indirect_vreg.gather [hbm4b:s6+s4], $0x80, v4, vm0, $0xb8;
	[tilespmem:$0x18400] =	vst v63  }
0xc5: {  	v4 =	vld [tilespmem:$0x50];
	_ =	sdelay $0x4  }
0xc6: {  	v5 =	vshrl.u32 v4, $0x3  }
0xc7: {  	v5 =	vmul.u32 $0x30, v5  }
0xc8: {  	v4 =	vand.u32 $0x7, v4  }
0xc9: {  	v4 =	vor.u32 v4, v5  }
0xca: {  	v5 =	vperm.xlane v4, v1;
	_ =	sdelay $0x1  }
0xcb: {  	v5 =	vadd.s32 v2, v5;
	_ =	sdelay $0x3  }
0xcc: {  	s26 =	simm.s32 $0xF400;
	v4 =	vperm.xlane v4, v3  }
0xcd: {  	[tilespmem:s26], [sflag:$0x6] =	stream.indirect_vreg.gather [hbm4b:s2+s4], $0x80, v5, vm0, $0xb8;
	[tilespmem:$0x18400] =	vst v63  }
0xce: {  	s28 =	simm.s32 $0xFC00;
	v4 =	vadd.s32 v2, v4  }
0xcf: {  	[tilespmem:s28], [sflag:$0x6] =	stream.indirect_vreg.gather [hbm4b:s5+s4], $0x80, v5, vm0, $0xb8;
	[tilespmem:$0x18400] =	vst v63  }
0xd0: {  	s25 =	simm.s32 $0x10400  }
0xd1: {  	[tilespmem:s25], [sflag:$0x6] =	stream.indirect_vreg.gather [hbm4b:s6+s4], $0x80, v5, vm0, $0xb8;
	[tilespmem:$0x18400] =	vst v63  }
0xd2: {  	s26 =	simm.s32 $0x10C00  }
0xd3: {  	[tilespmem:s26], [sflag:$0x6] =	stream.indirect_vreg.gather [hbm4b:s2+s4], $0x80, v4, vm0, $0xb8;
	[tilespmem:$0x18400] =	vst v63  }
0xd4: {  	s28 =	simm.s32 $0x11400  }
0xd5: {  	[tilespmem:s28], [sflag:$0x6] =	stream.indirect_vreg.gather [hbm4b:s5+s4], $0x80, v4, vm0, $0xb8;
	[tilespmem:$0x18400] =	vst v63  }
0xd6: {  	s25 =	simm.s32 $0x11C00  }
0xd7: {  	[tilespmem:s25], [sflag:$0x6] =	stream.indirect_vreg.gather [hbm4b:s6+s4], $0x80, v4, vm0, $0xb8;
	[tilespmem:$0x18400] =	vst v63  }
0xd8: {  	v4 =	vld [tilespmem:$0x60];
	_ =	sdelay $0x4  }
0xd9: {  	v5 =	vshrl.u32 v4, $0x3  }
0xda: {  	v5 =	vmul.u32 $0x30, v5  }
0xdb: {  	v4 =	vand.u32 $0x7, v4  }
0xdc: {  	v4 =	vor.u32 v4, v5  }
0xdd: {  	v5 =	vperm.xlane v4, v1;
	_ =	sdelay $0x1  }
0xde: {  	v5 =	vadd.s32 v2, v5;
	_ =	sdelay $0x3  }
0xdf: {  	v4 =	vperm.xlane v4, v3  }
0xe0: {  	[tilespmem:s21], [sflag:$0x7] =	stream.indirect_vreg.gather [hbm4b:s2+s4], $0x80, v5, vm0, $0xb8;
	[tilespmem:$0x18400] =	vst v63  }
0xe1: {  	s26 =	simm.s32 $0x12C00;
	v4 =	vadd.s32 v2, v4  }
0xe2: {  	[tilespmem:s26], [sflag:$0x7] =	stream.indirect_vreg.gather [hbm4b:s5+s4], $0x80, v5, vm0, $0xb8;
	[tilespmem:$0x18400] =	vst v63  }
0xe3: {  	s28 =	simm.s32 $0x13400  }
0xe4: {  	[tilespmem:s28], [sflag:$0x7] =	stream.indirect_vreg.gather [hbm4b:s6+s4], $0x80, v5, vm0, $0xb8;
	[tilespmem:$0x18400] =	vst v63  }
0xe5: {  	s25 =	simm.s32 $0x13C00  }
0xe6: {  	[tilespmem:s25], [sflag:$0x7] =	stream.indirect_vreg.gather [hbm4b:s2+s4], $0x80, v4, vm0, $0xb8;
	[tilespmem:$0x18400] =	vst v63  }
0xe7: {  	s26 =	simm.s32 $0x14400  }
0xe8: {  	[tilespmem:s26], [sflag:$0x7] =	stream.indirect_vreg.gather [hbm4b:s5+s4], $0x80, v4, vm0, $0xb8;
	[tilespmem:$0x18400] =	vst v63  }
0xe9: {  	s28 =	simm.s32 $0x14C00  }
0xea: {  	[tilespmem:s28], [sflag:$0x7] =	stream.indirect_vreg.gather [hbm4b:s6+s4], $0x80, v4, vm0, $0xb8;
	[tilespmem:$0x18400] =	vst v63  }
0xeb: {  	v4 =	vld [tilespmem:$0x70];
	_ =	sdelay $0x4  }
0xec: {  	v5 =	vshrl.u32 v4, $0x3  }
0xed: {  	v5 =	vmul.u32 $0x30, v5  }
0xee: {  	v4 =	vand.u32 $0x7, v4  }
0xef: {  	v4 =	vor.u32 v4, v5  }
0xf0: {  	v5 =	vperm.xlane v4, v1;
	_ =	sdelay $0x1  }
0xf1: {  	v5 =	vadd.s32 v2, v5;
	_ =	sdelay $0x3  }
0xf2: {  	v4 =	vperm.xlane v4, v3  }
0xf3: {  	[tilespmem:s29], [sflag:$0x8] =	stream.indirect_vreg.gather [hbm4b:s2+s4], $0x80, v5, vm0, $0xb8;
	[tilespmem:$0x18400] =	vst v63  }
0xf4: {  	v4 =	vadd.s32 v2, v4  }
0xf5: {  	[tilespmem:s30], [sflag:$0x8] =	stream.indirect_vreg.gather [hbm4b:s5+s4], $0x80, v5, vm0, $0xb8;
	[tilespmem:$0x18400] =	vst v63  }
0xf6: {  	_ = 	snop  }
0xf7: {  	[tilespmem:s31], [sflag:$0x8] =	stream.indirect_vreg.gather [hbm4b:s6+s4], $0x80, v5, vm0, $0xb8;
	[tilespmem:$0x18400] =	vst v63  }
0xf8: {  	_ = 	snop  }
0xf9: {  	[tilespmem:s0], [sflag:$0x8] =	stream.indirect_vreg.gather [hbm4b:s2+s4], $0x80, v4, vm0, $0xb8;
	[tilespmem:$0x18400] =	vst v63  }
0xfa: {  	_ = 	snop  }
0xfb: {  	[tilespmem:s1], [sflag:$0x8] =	stream.indirect_vreg.gather [hbm4b:s5+s4], $0x80, v4, vm0, $0xb8;
	[tilespmem:$0x18400] =	vst v63  }
0xfc: {  	s24 =	simm.s32 $0xF0;
	s25 =	simm.s32 $0x0  }
0xfd: {  	[tilespmem:s3], [sflag:$0x8] =	stream.indirect_vreg.gather [hbm4b:s6+s4], $0x80, v4, vm0, $0xb8;
	[tilespmem:$0x18400] =	vst v63  }
.LBB2_2:
0xfe: {  	_ =	swait.ge [sflag:s9], $0x3000  }
0xff: {  	[sflag:s9] =	ssyncset.done $0x0  }
0x100: {  	[sflag:s9] =	ssyncadd.s32 $0xFFFFD000  }
0x101: {  	_ =	swait.ge [sflag:s11], $0x3000  }
0x102: {  	[sflag:s11] =	ssyncset.done $0x0  }
0x103: {  	s26 =	sadd.s32 s25, s8;
	[sflag:s11] =	ssyncadd.s32 $0xFFFFD000  }
0x104: {  	[hbm4b:s26+s4] =	stream.linear.scatter [tilespmem:s10], [sflag:$0x9], $0x6000, $0x38;
	[tilespmem:$0x18400] =	vst v63  }
0x105: {  	_ =	swait.ge [sflag:s12], $0x3000  }
0x106: {  	[sflag:s12] =	ssyncset.done $0x0  }
0x107: {  	[sflag:s12] =	ssyncadd.s32 $0xFFFFD000  }
0x108: {  	_ =	swait.ge [sflag:s13], $0x3000  }
0x109: {  	[sflag:s13] =	ssyncset.done $0x0  }
0x10a: {  	s28 =	sadd.s32 $0xC00, s26;
	[sflag:s13] =	ssyncadd.s32 $0xFFFFD000  }
0x10b: {  	[hbm4b:s28+s4] =	stream.linear.scatter [tilespmem:s22], [sflag:$0xA], $0x6000, $0x38;
	[tilespmem:$0x18400] =	vst v63  }
0x10c: {  	_ =	swait.ge [sflag:s14], $0x3000  }
0x10d: {  	[sflag:s14] =	ssyncset.done $0x0  }
0x10e: {  	[sflag:s14] =	ssyncadd.s32 $0xFFFFD000  }
0x10f: {  	_ =	swait.ge [sflag:s15], $0x3000  }
0x110: {  	[sflag:s15] =	ssyncset.done $0x0  }
0x111: {  	s28 =	sadd.s32 $0x1800, s26;
	[sflag:s15] =	ssyncadd.s32 $0xFFFFD000  }
0x112: {  	[hbm4b:s28+s4] =	stream.linear.scatter [tilespmem:s7], [sflag:$0xB], $0x6000, $0x38;
	[tilespmem:$0x18400] =	vst v63  }
0x113: {  	_ =	swait.ge [sflag:s16], $0x3000  }
0x114: {  	p0 =	seq.s32 s25, $0x15000;
	[sflag:s16] =	ssyncset.done $0x0  }
.Ltmp2:
0x115: {  	[sflag:s16] =	ssyncadd.s32 $0xFFFFD000;
	(pc) =	sbr.rel @p0 .LBB2_4-.Ltmp2, $4  }
0x116: {  	_ =	swait.ge [sflag:s17], $0x3000  }
0x117: {  	[sflag:s17] =	ssyncset.done $0x0  }
0x118: {  	s26 =	sadd.s32 $0x2400, s26;
	[sflag:s17] =	ssyncadd.s32 $0xFFFFD000  }
0x119: {  	[hbm4b:s26+s4] =	stream.linear.scatter [tilespmem:s21], [sflag:$0xC], $0x6000, $0x38;
	[tilespmem:$0x18400] =	vst v63  }
0x11a: {  	_ =	swait.ge [sflag:s18], $0x6000  }
0x11b: {  	[sflag:s18] =	ssyncset.done $0x0  }
0x11c: {  	[sflag:s18] =	ssyncadd.s32 $0xFFFFA000  }
0x11d: {  	v4 =	vld [tilespmem:s24+$0xFFFFFF90];
	_ =	sdelay $0x4  }
0x11e: {  	v5 =	vshrl.u32 v4, $0x3  }
0x11f: {  	v5 =	vmul.u32 $0x30, v5  }
0x120: {  	v4 =	vand.u32 $0x7, v4  }
0x121: {  	v4 =	vor.u32 v4, v5  }
0x122: {  	v5 =	vperm.xlane v4, v1;
	_ =	sdelay $0x1  }
0x123: {  	v5 =	vadd.s32 v2, v5;
	_ =	sdelay $0x3  }
0x124: {  	v4 =	vperm.xlane v4, v3  }
0x125: {  	[tilespmem:s10], [sflag:$0x1] =	stream.indirect_vreg.gather [hbm4b:s2+s4], $0x80, v5, vm0, $0xb8;
	[tilespmem:$0x18400] =	vst v63  }
0x126: {  	s26 =	simm.s32 $0xC00;
	v4 =	vadd.s32 v2, v4  }
0x127: {  	[tilespmem:s26], [sflag:$0x1] =	stream.indirect_vreg.gather [hbm4b:s5+s4], $0x80, v5, vm0, $0xb8;
	[tilespmem:$0x18400] =	vst v63  }
0x128: {  	s28 =	simm.s32 $0x1400  }
0x129: {  	[tilespmem:s28], [sflag:$0x1] =	stream.indirect_vreg.gather [hbm4b:s6+s4], $0x80, v5, vm0, $0xb8;
	[tilespmem:$0x18400] =	vst v63  }
0x12a: {  	s28 =	simm.s32 $0x1C00  }
0x12b: {  	[tilespmem:s28], [sflag:$0x1] =	stream.indirect_vreg.gather [hbm4b:s2+s4], $0x80, v4, vm0, $0xb8;
	[tilespmem:$0x18400] =	vst v63  }
0x12c: {  	s28 =	simm.s32 $0x2400  }
0x12d: {  	[tilespmem:s28], [sflag:$0x1] =	stream.indirect_vreg.gather [hbm4b:s5+s4], $0x80, v4, vm0, $0xb8;
	[tilespmem:$0x18400] =	vst v63  }
0x12e: {  	s28 =	simm.s32 $0x2C00  }
0x12f: {  	[tilespmem:s28], [sflag:$0x1] =	stream.indirect_vreg.gather [hbm4b:s6+s4], $0x80, v4, vm0, $0xb8;
	[tilespmem:$0x18400] =	vst v63  }
0x130: {  	v4 =	vld [tilespmem:s24+$0xFFFFFFA0];
	_ =	sdelay $0x4  }
0x131: {  	v5 =	vshrl.u32 v4, $0x3  }
0x132: {  	v5 =	vmul.u32 $0x30, v5  }
0x133: {  	v4 =	vand.u32 $0x7, v4  }
0x134: {  	v4 =	vor.u32 v4, v5  }
0x135: {  	v5 =	vperm.xlane v4, v1;
	_ =	sdelay $0x1  }
0x136: {  	v5 =	vadd.s32 v2, v5;
	_ =	sdelay $0x3  }
0x137: {  	s28 =	simm.s32 $0x3400;
	v4 =	vperm.xlane v4, v3  }
0x138: {  	[tilespmem:s28], [sflag:$0x2] =	stream.indirect_vreg.gather [hbm4b:s2+s4], $0x80, v5, vm0, $0xb8;
	[tilespmem:$0x18400] =	vst v63  }
0x139: {  	v4 =	vadd.s32 v2, v4;
	s28 =	simm.s32 $0x3C00  }
0x13a: {  	[tilespmem:s28], [sflag:$0x2] =	stream.indirect_vreg.gather [hbm4b:s5+s4], $0x80, v5, vm0, $0xb8;
	[tilespmem:$0x18400] =	vst v63  }
0x13b: {  	s28 =	simm.s32 $0x4400  }
0x13c: {  	[tilespmem:s28], [sflag:$0x2] =	stream.indirect_vreg.gather [hbm4b:s6+s4], $0x80, v5, vm0, $0xb8;
	[tilespmem:$0x18400] =	vst v63  }
0x13d: {  	s28 =	simm.s32 $0x4C00  }
0x13e: {  	[tilespmem:s28], [sflag:$0x2] =	stream.indirect_vreg.gather [hbm4b:s2+s4], $0x80, v4, vm0, $0xb8;
	[tilespmem:$0x18400] =	vst v63  }
0x13f: {  	s28 =	simm.s32 $0x5400  }
0x140: {  	[tilespmem:s28], [sflag:$0x2] =	stream.indirect_vreg.gather [hbm4b:s5+s4], $0x80, v4, vm0, $0xb8;
	[tilespmem:$0x18400] =	vst v63  }
0x141: {  	s28 =	simm.s32 $0x5C00  }
0x142: {  	[tilespmem:s28], [sflag:$0x2] =	stream.indirect_vreg.gather [hbm4b:s6+s4], $0x80, v4, vm0, $0xb8;
	[tilespmem:$0x18400] =	vst v63  }
0x143: {  	_ =	swait.ge [sflag:s19], $0x6000  }
0x144: {  	[sflag:s19] =	ssyncset.done $0x0  }
0x145: {  	[sflag:s19] =	ssyncadd.s32 $0xFFFFA000  }
0x146: {  	v4 =	vld [tilespmem:s24+$0xFFFFFFB0];
	_ =	sdelay $0x4  }
0x147: {  	v5 =	vshrl.u32 v4, $0x3  }
0x148: {  	v5 =	vmul.u32 $0x30, v5  }
0x149: {  	v4 =	vand.u32 $0x7, v4  }
0x14a: {  	v4 =	vor.u32 v4, v5  }
0x14b: {  	v5 =	vperm.xlane v4, v1;
	_ =	sdelay $0x1  }
0x14c: {  	v5 =	vadd.s32 v2, v5;
	_ =	sdelay $0x3  }
0x14d: {  	v4 =	vperm.xlane v4, v3  }
0x14e: {  	[tilespmem:s22], [sflag:$0x3] =	stream.indirect_vreg.gather [hbm4b:s2+s4], $0x80, v5, vm0, $0xb8;
	[tilespmem:$0x18400] =	vst v63  }
0x14f: {  	s28 =	simm.s32 $0x6C00;
	v4 =	vadd.s32 v2, v4  }
0x150: {  	[tilespmem:s28], [sflag:$0x3] =	stream.indirect_vreg.gather [hbm4b:s5+s4], $0x80, v5, vm0, $0xb8;
	[tilespmem:$0x18400] =	vst v63  }
0x151: {  	s28 =	simm.s32 $0x7400  }
0x152: {  	[tilespmem:s28], [sflag:$0x3] =	stream.indirect_vreg.gather [hbm4b:s6+s4], $0x80, v5, vm0, $0xb8;
	[tilespmem:$0x18400] =	vst v63  }
0x153: {  	s28 =	simm.s32 $0x7C00  }
0x154: {  	[tilespmem:s28], [sflag:$0x3] =	stream.indirect_vreg.gather [hbm4b:s2+s4], $0x80, v4, vm0, $0xb8;
	[tilespmem:$0x18400] =	vst v63  }
0x155: {  	s28 =	simm.s32 $0x8400  }
0x156: {  	[tilespmem:s28], [sflag:$0x3] =	stream.indirect_vreg.gather [hbm4b:s5+s4], $0x80, v4, vm0, $0xb8;
	[tilespmem:$0x18400] =	vst v63  }
0x157: {  	s28 =	simm.s32 $0x8C00  }
0x158: {  	[tilespmem:s28], [sflag:$0x3] =	stream.indirect_vreg.gather [hbm4b:s6+s4], $0x80, v4, vm0, $0xb8;
	[tilespmem:$0x18400] =	vst v63  }
0x159: {  	v4 =	vld [tilespmem:s24+$0xFFFFFFC0];
	_ =	sdelay $0x4  }
0x15a: {  	v5 =	vshrl.u32 v4, $0x3  }
0x15b: {  	v5 =	vmul.u32 $0x30, v5  }
0x15c: {  	v4 =	vand.u32 $0x7, v4  }
0x15d: {  	v4 =	vor.u32 v4, v5  }
0x15e: {  	v5 =	vperm.xlane v4, v1;
	_ =	sdelay $0x1  }
0x15f: {  	v5 =	vadd.s32 v2, v5;
	_ =	sdelay $0x3  }
0x160: {  	s28 =	simm.s32 $0x9400;
	v4 =	vperm.xlane v4, v3  }
0x161: {  	[tilespmem:s28], [sflag:$0x4] =	stream.indirect_vreg.gather [hbm4b:s2+s4], $0x80, v5, vm0, $0xb8;
	[tilespmem:$0x18400] =	vst v63  }
0x162: {  	v4 =	vadd.s32 v2, v4;
	s28 =	simm.s32 $0x9C00  }
0x163: {  	[tilespmem:s28], [sflag:$0x4] =	stream.indirect_vreg.gather [hbm4b:s5+s4], $0x80, v5, vm0, $0xb8;
	[tilespmem:$0x18400] =	vst v63  }
0x164: {  	s28 =	simm.s32 $0xA400  }
0x165: {  	[tilespmem:s28], [sflag:$0x4] =	stream.indirect_vreg.gather [hbm4b:s6+s4], $0x80, v5, vm0, $0xb8;
	[tilespmem:$0x18400] =	vst v63  }
0x166: {  	s28 =	simm.s32 $0xAC00  }
0x167: {  	[tilespmem:s28], [sflag:$0x4] =	stream.indirect_vreg.gather [hbm4b:s2+s4], $0x80, v4, vm0, $0xb8;
	[tilespmem:$0x18400] =	vst v63  }
0x168: {  	s28 =	simm.s32 $0xB400  }
0x169: {  	[tilespmem:s28], [sflag:$0x4] =	stream.indirect_vreg.gather [hbm4b:s5+s4], $0x80, v4, vm0, $0xb8;
	[tilespmem:$0x18400] =	vst v63  }
0x16a: {  	s28 =	simm.s32 $0xBC00  }
0x16b: {  	[tilespmem:s28], [sflag:$0x4] =	stream.indirect_vreg.gather [hbm4b:s6+s4], $0x80, v4, vm0, $0xb8;
	[tilespmem:$0x18400] =	vst v63  }
0x16c: {  	_ =	swait.ge [sflag:s20], $0x6000  }
0x16d: {  	[sflag:s20] =	ssyncset.done $0x0  }
0x16e: {  	[sflag:s20] =	ssyncadd.s32 $0xFFFFA000  }
0x16f: {  	v4 =	vld [tilespmem:s24+$0xFFFFFFD0];
	_ =	sdelay $0x4  }
0x170: {  	v5 =	vshrl.u32 v4, $0x3  }
0x171: {  	v5 =	vmul.u32 $0x30, v5  }
0x172: {  	v4 =	vand.u32 $0x7, v4  }
0x173: {  	v4 =	vor.u32 v4, v5  }
0x174: {  	v5 =	vperm.xlane v4, v1;
	_ =	sdelay $0x1  }
0x175: {  	v5 =	vadd.s32 v2, v5;
	_ =	sdelay $0x3  }
0x176: {  	v4 =	vperm.xlane v4, v3  }
0x177: {  	[tilespmem:s7], [sflag:$0x5] =	stream.indirect_vreg.gather [hbm4b:s2+s4], $0x80, v5, vm0, $0xb8;
	[tilespmem:$0x18400] =	vst v63  }
0x178: {  	s28 =	simm.s32 $0xCC00;
	v4 =	vadd.s32 v2, v4  }
0x179: {  	[tilespmem:s28], [sflag:$0x5] =	stream.indirect_vreg.gather [hbm4b:s5+s4], $0x80, v5, vm0, $0xb8;
	[tilespmem:$0x18400] =	vst v63  }
0x17a: {  	s28 =	simm.s32 $0xD400  }
0x17b: {  	[tilespmem:s28], [sflag:$0x5] =	stream.indirect_vreg.gather [hbm4b:s6+s4], $0x80, v5, vm0, $0xb8;
	[tilespmem:$0x18400] =	vst v63  }
0x17c: {  	s28 =	simm.s32 $0xDC00  }
0x17d: {  	[tilespmem:s28], [sflag:$0x5] =	stream.indirect_vreg.gather [hbm4b:s2+s4], $0x80, v4, vm0, $0xb8;
	[tilespmem:$0x18400] =	vst v63  }
0x17e: {  	s28 =	simm.s32 $0xE400  }
0x17f: {  	[tilespmem:s28], [sflag:$0x5] =	stream.indirect_vreg.gather [hbm4b:s5+s4], $0x80, v4, vm0, $0xb8;
	[tilespmem:$0x18400] =	vst v63  }
0x180: {  	s28 =	simm.s32 $0xEC00  }
0x181: {  	[tilespmem:s28], [sflag:$0x5] =	stream.indirect_vreg.gather [hbm4b:s6+s4], $0x80, v4, vm0, $0xb8;
	[tilespmem:$0x18400] =	vst v63  }
0x182: {  	v4 =	vld [tilespmem:s24+$0xFFFFFFE0];
	_ =	sdelay $0x4  }
0x183: {  	v5 =	vshrl.u32 v4, $0x3  }
0x184: {  	v5 =	vmul.u32 $0x30, v5  }
0x185: {  	v4 =	vand.u32 $0x7, v4  }
0x186: {  	v4 =	vor.u32 v4, v5  }
0x187: {  	v5 =	vperm.xlane v4, v1;
	_ =	sdelay $0x1  }
0x188: {  	v5 =	vadd.s32 v2, v5;
	_ =	sdelay $0x3  }
0x189: {  	s28 =	simm.s32 $0xF400;
	v4 =	vperm.xlane v4, v3  }
0x18a: {  	[tilespmem:s28], [sflag:$0x6] =	stream.indirect_vreg.gather [hbm4b:s2+s4], $0x80, v5, vm0, $0xb8;
	[tilespmem:$0x18400] =	vst v63  }
0x18b: {  	v4 =	vadd.s32 v2, v4;
	s28 =	simm.s32 $0xFC00  }
0x18c: {  	[tilespmem:s28], [sflag:$0x6] =	stream.indirect_vreg.gather [hbm4b:s5+s4], $0x80, v5, vm0, $0xb8;
	[tilespmem:$0x18400] =	vst v63  }
0x18d: {  	s28 =	simm.s32 $0x10400  }
0x18e: {  	[tilespmem:s28], [sflag:$0x6] =	stream.indirect_vreg.gather [hbm4b:s6+s4], $0x80, v5, vm0, $0xb8;
	[tilespmem:$0x18400] =	vst v63  }
0x18f: {  	s28 =	simm.s32 $0x10C00  }
0x190: {  	[tilespmem:s28], [sflag:$0x6] =	stream.indirect_vreg.gather [hbm4b:s2+s4], $0x80, v4, vm0, $0xb8;
	[tilespmem:$0x18400] =	vst v63  }
0x191: {  	s28 =	simm.s32 $0x11400  }
0x192: {  	[tilespmem:s28], [sflag:$0x6] =	stream.indirect_vreg.gather [hbm4b:s5+s4], $0x80, v4, vm0, $0xb8;
	[tilespmem:$0x18400] =	vst v63  }
0x193: {  	s28 =	simm.s32 $0x11C00  }
0x194: {  	[tilespmem:s28], [sflag:$0x6] =	stream.indirect_vreg.gather [hbm4b:s6+s4], $0x80, v4, vm0, $0xb8;
	[tilespmem:$0x18400] =	vst v63  }
0x195: {  	_ =	swait.ge [sflag:s23], $0x6000  }
0x196: {  	[sflag:s23] =	ssyncset.done $0x0  }
0x197: {  	[sflag:s23] =	ssyncadd.s32 $0xFFFFA000  }
0x198: {  	v4 =	vld [tilespmem:s24+$0xFFFFFFF0];
	_ =	sdelay $0x4  }
0x199: {  	v5 =	vshrl.u32 v4, $0x3  }
0x19a: {  	v5 =	vmul.u32 $0x30, v5  }
0x19b: {  	v4 =	vand.u32 $0x7, v4  }
0x19c: {  	v4 =	vor.u32 v4, v5  }
0x19d: {  	v5 =	vperm.xlane v4, v1;
	_ =	sdelay $0x1  }
0x19e: {  	v5 =	vadd.s32 v2, v5;
	_ =	sdelay $0x3  }
0x19f: {  	v4 =	vperm.xlane v4, v3  }
0x1a0: {  	[tilespmem:s21], [sflag:$0x7] =	stream.indirect_vreg.gather [hbm4b:s2+s4], $0x80, v5, vm0, $0xb8;
	[tilespmem:$0x18400] =	vst v63  }
0x1a1: {  	s28 =	simm.s32 $0x12C00;
	v4 =	vadd.s32 v2, v4  }
0x1a2: {  	[tilespmem:s28], [sflag:$0x7] =	stream.indirect_vreg.gather [hbm4b:s5+s4], $0x80, v5, vm0, $0xb8;
	[tilespmem:$0x18400] =	vst v63  }
0x1a3: {  	s28 =	simm.s32 $0x13400  }
0x1a4: {  	[tilespmem:s28], [sflag:$0x7] =	stream.indirect_vreg.gather [hbm4b:s6+s4], $0x80, v5, vm0, $0xb8;
	[tilespmem:$0x18400] =	vst v63  }
0x1a5: {  	s28 =	simm.s32 $0x13C00  }
0x1a6: {  	[tilespmem:s28], [sflag:$0x7] =	stream.indirect_vreg.gather [hbm4b:s2+s4], $0x80, v4, vm0, $0xb8;
	[tilespmem:$0x18400] =	vst v63  }
0x1a7: {  	s28 =	simm.s32 $0x14400  }
0x1a8: {  	[tilespmem:s28], [sflag:$0x7] =	stream.indirect_vreg.gather [hbm4b:s5+s4], $0x80, v4, vm0, $0xb8;
	[tilespmem:$0x18400] =	vst v63  }
0x1a9: {  	s28 =	simm.s32 $0x14C00  }
0x1aa: {  	[tilespmem:s28], [sflag:$0x7] =	stream.indirect_vreg.gather [hbm4b:s6+s4], $0x80, v4, vm0, $0xb8;
	[tilespmem:$0x18400] =	vst v63  }
0x1ab: {  	v4 =	vld [tilespmem:s24+$0x0];
	_ =	sdelay $0x4  }
0x1ac: {  	v5 =	vshrl.u32 v4, $0x3  }
0x1ad: {  	v5 =	vmul.u32 $0x30, v5  }
0x1ae: {  	v4 =	vand.u32 $0x7, v4  }
0x1af: {  	v4 =	vor.u32 v4, v5  }
0x1b0: {  	v5 =	vperm.xlane v4, v1;
	_ =	sdelay $0x1  }
0x1b1: {  	v5 =	vadd.s32 v2, v5;
	_ =	sdelay $0x3  }
0x1b2: {  	v4 =	vperm.xlane v4, v3  }
0x1b3: {  	[tilespmem:s29], [sflag:$0x8] =	stream.indirect_vreg.gather [hbm4b:s2+s4], $0x80, v5, vm0, $0xb8;
	[tilespmem:$0x18400] =	vst v63  }
0x1b4: {  	v4 =	vadd.s32 v2, v4  }
0x1b5: {  	[tilespmem:s30], [sflag:$0x8] =	stream.indirect_vreg.gather [hbm4b:s5+s4], $0x80, v5, vm0, $0xb8;
	[tilespmem:$0x18400] =	vst v63  }
0x1b6: {  	s25 =	sadd.s32 $0x3000, s25  }
0x1b7: {  	[tilespmem:s31], [sflag:$0x8] =	stream.indirect_vreg.gather [hbm4b:s6+s4], $0x80, v5, vm0, $0xb8;
	[tilespmem:$0x18400] =	vst v63  }
0x1b8: {  	p0 =	sne.s32 s25, $0x18000  }
0x1b9: {  	[tilespmem:s0], [sflag:$0x8] =	stream.indirect_vreg.gather [hbm4b:s2+s4], $0x80, v4, vm0, $0xb8;
	[tilespmem:$0x18400] =	vst v63  }
.Ltmp3:
0x1ba: {  	_ = 	snop;
	(pc) =	sbr.rel @p0 .LBB2_2-.Ltmp3, $4  }
.Ltmp4:
0x1bb: {  	_ = 	snop;
	(pc) =	sbr.rel @!p0 .LBB2_4-.Ltmp4, $4  }
0x1bc: {  	[tilespmem:s1], [sflag:$0x8] =	stream.indirect_vreg.gather [hbm4b:s5+s4], $0x80, v4, vm0, $0xb8;
	[tilespmem:$0x18400] =	vst v63  }
0x1bd: {  	s24 =	sadd.s32 $0x80, s24  }
0x1be: {  	[tilespmem:s3], [sflag:$0x8] =	stream.indirect_vreg.gather [hbm4b:s6+s4], $0x80, v4, vm0, $0xb8;
	[tilespmem:$0x18400] =	vst v63  }
0x1bf: {  	_ = 	snop  }
.LBB2_5:
0x1c0: {  	_ =	sfence.sel $0x180000  }
0x1c1: {  	[bflag:$0x0] =	sbarrier.arrive $0xFFFF  }
0x1c2: {  	_ =	strace $0x90000047  }
0x1c3: {  	s0 =	stileid.u32;
	[bflag:$0x2] =	sbarrier.arrive $0xFFFF  }
0x1c4: {  	p0 =	sne.s32 s0, $0x0;
	s0 =	rddreg [dreg:$0x3]  }
0x1c5: {  	s0 =	sadd.s32 @!p0 $0x100000, s0  }
0x1c6: {  	[sflag:s0] =	ssyncadd.tile.s32 @!p0 $0x1;
	_ =	shalt  }
.Lfunc_end2:
_tile_overlayer_lowered:
.L_overlay_start_2:
0x1c7: {  	(tag) =	ssettag $0x2  }
0x1c8: {  	s0 =	rddreg [dreg:$0x0];
	s2 =	stileid.u32  }
0x1c9: {  	s1 =	rddreg [dreg:$0x1];
	p0 =	sne.s32 s2, $0x0  }
0x1ca: {  	s3 =	rddreg [dreg:$0x2];
	[bflag:$0x3] =	sbarrier.arrive $0xFFFF;
	s2 =	simm.s32 @!p0 $0x1C0D  }
0x1cb: {  	[timem:s3], [sflag:s2] =	dma.local @!p0 [hbm:s0], s1  }
0x1cc: {  	s0 =	simm.s32 @!p0 $0xD  }
0x1cd: {  	_ =	swait.ge @!p0 [sflag:s0], s1  }
0x1ce: {  	s1 =	ssub.s32 @!p0 $0x0, s1;
	[sflag:s0] =	ssyncset.done @!p0 $0x0  }
0x1cf: {  	[sflag:s0] =	ssyncadd.s32 @!p0 s1  }
0x1d0: {  	[bflag:$0x3] =	sbarrier.arrive $0xFFFF  }
0x1d1: {  	_ =	shalt  }

</sc_bundles>
